<compile_context>
chip_gen: v7x
topology: tpu7x:2x2x1
jax: 0.10.2.dev20260603
libtpu: 0.0.44.dev20260713+nightly
codegen_flags: <defaults>
</compile_context>

<pallas_src>
import functools

import numpy as np
import jax
import jax.numpy as jnp
from jax import lax
from jax.experimental import pallas as pl
from jax.experimental.pallas import tpu as pltpu
from jax.experimental.pallas import tpu_sc as plsc

_GROUPS = 2
_M = 512
_D = 32
_ALPHA = -1.0
_N = 2048
_TN = 512
_GRID = _N // _TN


def _gumbel_tile(step, g):
    row = jax.lax.broadcasted_iota(jnp.int32, (_TN, _M), 0) + step * _TN
    col = jax.lax.broadcasted_iota(jnp.int32, (_TN, _M), 1)
    lo = (row * _GROUPS + g) * _M + col
    x0 = jnp.zeros((_TN, _M), jnp.int32)
    x1 = lo

    def rotl(v, r):
        return (v << r) | jax.lax.shift_right_logical(v, 32 - r)

    rotations = ((13, 15, 26, 6), (17, 29, 16, 24))
    k0, k1 = jnp.int32(0), jnp.int32(1)
    ks = (k0, k1, k0 ^ k1 ^ jnp.int32(0x1BD11BDA))
    x0 = x0 + ks[0]
    x1 = x1 + ks[1]
    for r5 in range(5):
        for r in rotations[r5 % 2]:
            x0 = x0 + x1
            x1 = rotl(x1, r)
            x1 = x0 ^ x1
        x0 = x0 + ks[(r5 + 1) % 3]
        x1 = x1 + ks[(r5 + 2) % 3] + jnp.int32(r5 + 1)
    bits = x0 ^ x1
    fb = jax.lax.shift_right_logical(bits, 9) | jnp.int32(0x3F800000)
    fl = jax.lax.bitcast_convert_type(fb, jnp.float32) - jnp.float32(1.0)
    mn = jnp.float32(1e-6)
    scale = jnp.float32(np.float32(1.0 - 1e-6) - np.float32(1e-6))
    u = jnp.maximum(mn, fl * scale + mn)
    return -jnp.log(-jnp.log(u))


def _vq_body(x_ref, emb_ref, inds_ref, idxflat_ref, stats_ref,
             counts_ref, psum_ref, commit_ref):
    i = pl.program_id(0)

    @pl.when(i == 0)
    def _init():
        counts_ref[...] = jnp.zeros_like(counts_ref)
        psum_ref[...] = jnp.zeros_like(psum_ref)
        commit_ref[0, 0] = 0.0

    lane = jax.lax.broadcasted_iota(jnp.int32, (_TN, _M), 1)
    ones_row = jnp.ones((1, _D), jnp.float32)
    idx_list = []
    idxflat_list = []
    commit_part = jnp.float32(0.0)
    for g in range(_GROUPS):
        xg = x_ref[:, g * _D:(g + 1) * _D]
        eg = emb_ref[g]
        cross = jax.lax.dot_general(
            xg.astype(jnp.bfloat16), eg.astype(jnp.bfloat16),
            (((1,), (1,)), ((), ())),
            preferred_element_type=jnp.float32)
        embsq = jax.lax.dot_general(
            ones_row, eg * eg, (((1,), (1,)), ((), ())),
            preferred_element_type=jnp.float32,
            precision=jax.lax.Precision.HIGHEST)
        xsq = jnp.sum(xg * xg, axis=1, keepdims=True)
        logits = _ALPHA * ((embsq + xsq) - 2.0 * cross)

        mx = jnp.max(logits, axis=1, keepdims=True)
        kpure = jnp.min(jnp.where(logits == mx, lane, _M),
                        axis=1, keepdims=True)
        oh_pure = (lane == kpure).astype(jnp.float32)
        counts_ref[g:g + 1, :] += jnp.sum(oh_pure, axis=0, keepdims=True)

        e = jnp.exp(logits - mx)
        p = e / jnp.sum(e, axis=1, keepdims=True)
        psum_ref[g:g + 1, :] += jnp.sum(p, axis=0, keepdims=True)

        pert = logits + _gumbel_tile(i, g)
        mxp = jnp.max(pert, axis=1, keepdims=True)
        kg = jnp.min(jnp.where(pert == mxp, lane, _M),
                     axis=1, keepdims=True)
        ohg = (lane == kg).astype(jnp.float32)

        commit_part += jnp.sum(ohg * (-logits))
        idx_list.append(kg)
        idxflat_list.append(kg + g * _M)

    commit_ref[0, 0] += commit_part
    inds_ref[...] = jnp.concatenate(idx_list, axis=1)
    idxflat_ref[...] = jnp.concatenate(idxflat_list, axis=1)

    @pl.when(i == _GRID - 1)
    def _final():
        inv_n = jnp.float32(1.0 / _N)
        for g in range(_GROUPS):
            hp = counts_ref[g:g + 1, :] * inv_n
            cp = -jnp.sum(hp * jnp.log2(hp + 1e-10))
            ap = psum_ref[g:g + 1, :] * inv_n
            pp = -jnp.sum(ap * jnp.log2(ap + 1e-10))
            stats_ref[g:g + 1, :] = jnp.full((1, 128), cp, jnp.float32)
            stats_ref[2 + g:3 + g, :] = jnp.full((1, 128), pp, jnp.float32)
        cl = commit_ref[0, 0] * jnp.float32(1.0 / (_N * _GROUPS * _D))
        stats_ref[4:5, :] = jnp.full((1, 128), cl, jnp.float32)
        stats_ref[5:8, :] = jnp.zeros((3, 128), jnp.float32)


def _vq_call(x2, embedding):
    return pl.pallas_call(
        _vq_body,
        grid=(_GRID,),
        in_specs=[
            pl.BlockSpec((_TN, _GROUPS * _D), lambda i: (i, 0)),
            pl.BlockSpec((_GROUPS, _M, _D), lambda i: (0, 0, 0)),
        ],
        out_specs=[
            pl.BlockSpec((_TN, _GROUPS), lambda i: (i, 0)),
            pl.BlockSpec((_TN, _GROUPS), lambda i: (i, 0)),
            pl.BlockSpec((8, 128), lambda i: (0, 0)),
        ],
        out_shape=[
            jax.ShapeDtypeStruct((_N, _GROUPS), jnp.int32),
            jax.ShapeDtypeStruct((_N, _GROUPS), jnp.int32),
            jax.ShapeDtypeStruct((8, 128), jnp.float32),
        ],
        scratch_shapes=[
            pltpu.VMEM((_GROUPS, _M), jnp.float32),
            pltpu.VMEM((_GROUPS, _M), jnp.float32),
            pltpu.SMEM((1, 1), jnp.float32),
        ],
    )(x2, embedding)


@functools.lru_cache(maxsize=1)
def _sc_gather_fn():
    info = plsc.get_sparse_core_info()
    nc, ns = info.num_cores, info.num_subcores
    nw = nc * ns
    b = _N * _GROUPS
    bw = b // nw
    mesh = plsc.VectorSubcoreMesh(core_axis_name="c", subcore_axis_name="s")

    @functools.partial(
        pl.kernel, mesh=mesh,
        out_type=jax.ShapeDtypeStruct((b, _D), jnp.float32),
        compiler_params=pltpu.CompilerParams(use_tc_tiling_on_sc=False),
        scratch_types=[
            pltpu.VMEM((bw,), jnp.int32),
            pltpu.VMEM((bw, _D), jnp.float32),
            pltpu.SemaphoreType.DMA,
        ],
    )
    def gather(table_hbm, idx_hbm, out_hbm, idx_v, rows_v, sem):
        wid = lax.axis_index("s") * nc + lax.axis_index("c")
        base = wid * bw
        pltpu.sync_copy(idx_hbm.at[pl.ds(base, bw)], idx_v)
        pltpu.async_copy(table_hbm.at[idx_v], rows_v, sem).wait()
        pltpu.sync_copy(rows_v, out_hbm.at[pl.ds(base, bw)])

    return gather


def kernel(x, embedding):
    bsz, tsz, csz = x.shape
    x2 = x.reshape(_N, _GROUPS * _D)
    inds, idxflat, stats = _vq_call(x2, embedding)
    table = embedding.reshape(_GROUPS * _M, _D)
    quant = _sc_gather_fn()(table, idxflat.reshape(_N * _GROUPS))
    quantized = quant.reshape(bsz, tsz, csz)
    code_perplexity = stats[0:2, 0]
    prob_perplexity = stats[2:4, 0]
    commitment_loss = stats[4, 0]
    quantization_inds = inds.reshape(bsz, tsz, _GROUPS)
    return (quantized, code_perplexity, prob_perplexity, commitment_loss,
            quantization_inds)

# --- scband reference (transcript-rebuilt; emitter-appended) ---
"""Pipeline reference for scband-gumbel-vector-quantizer-parallel-83124797047429 (READ-ONLY COPY).

The authoritative reference and input builder live on the scoring server;
editing this copy changes nothing except your own understanding.
"""

import jax, jax.numpy as jnp
import numpy as np

GROUPS = 2
M = 512
D = 32
ALPHA = -1.0
TAU = 2.0


def setup_inputs(seed: int = 0):
    key = jax.random.key(seed)
    k1, k2 = jax.random.split(key)
    x = jax.random.normal(k1, (4, 512, 64), dtype=jnp.float32)
    embedding = jax.random.uniform(k2, (GROUPS, M, D), minval=-0.999, maxval=0.999, dtype=jnp.float32)
    return {"x": x, "embedding": embedding}


def _gumbel_softmax(logits, key, tau, hard=True):
    u = jax.random.uniform(key, logits.shape, minval=1e-6, maxval=1.0 - 1e-6)
    g = -jnp.log(-jnp.log(u))
    y = jax.nn.softmax((logits + g) / tau, axis=-1)
    if hard:
        idx = jnp.argmax(y, axis=-1)
        y_hard = jax.nn.one_hot(idx, logits.shape[-1], dtype=y.dtype)
        y = y_hard + y - jax.lax.stop_gradient(y)
    return y


def reference(x, embedding):
    num_groups, m, d = embedding.shape
    bsz, tsz, csz = x.shape
    cur_x_flat = x.reshape(-1, num_groups, d)
    emb_sq = jnp.sum(embedding.reshape(-1, d) ** 2, axis=1)
    x_sq = jnp.sum(cur_x_flat ** 2, axis=2, keepdims=True)
    x_sq = jnp.broadcast_to(x_sq, (bsz * tsz, num_groups, m)).reshape(-1, num_groups * m)
    square_part = emb_sq[None, :] + x_sq
    cross_part = jnp.matmul(cur_x_flat[:, :, None, :], jnp.transpose(embedding, (0, 2, 1))[None]).reshape(bsz * tsz, -1)
    distances = square_part - 2.0 * cross_part
    distances_map = (ALPHA * distances).reshape(bsz * tsz * num_groups, -1)
    k = jnp.argmax(distances_map, axis=-1)
    hard_x = jax.nn.one_hot(k, m, dtype=distances_map.dtype).reshape(bsz * tsz, num_groups, -1)
    hard_probs = jnp.mean(hard_x, axis=0)
    code_perplexity = -jnp.sum(hard_probs * jnp.log2(hard_probs + 1e-10), axis=-1)
    avg_probs = jnp.mean(jax.nn.softmax(distances_map.reshape(bsz * tsz, num_groups, -1), axis=-1), axis=0)
    prob_perplexity = -jnp.sum(avg_probs * jnp.log2(avg_probs + 1e-10), axis=-1)
    dm = _gumbel_softmax(distances_map, jax.random.key(1), TAU, hard=True)
    dm = dm.reshape(bsz * tsz, -1)
    quantization_inds = jnp.argmax(dm.reshape(bsz * tsz * num_groups, -1), axis=-1).reshape(bsz, tsz, num_groups)
    output_temp = dm[:, :, None] * embedding.reshape(1, -1, d)
    output_temp = jnp.sum(output_temp.reshape(bsz * tsz, num_groups, m, -1), axis=-2)
    quantized = output_temp.reshape(bsz, tsz, -1)
    commitment_loss = jnp.mean((x - jax.lax.stop_gradient(quantized)) ** 2)
    return (quantized, code_perplexity, prob_perplexity, commitment_loss, quantization_inds)

if __name__ == "__main__":
    import jax
    _d = setup_inputs()
    print(jax.jit(kernel)(*tuple(_d.values())))

</pallas_src>

<mosaic_0001>
#map = affine_map<(d0, d1) -> (0, 0)>
#map1 = affine_map<(d0, d1) -> (0)>
module attributes {stable_mosaic.version = 14 : i64} {
  func.func @gather(%arg0: i32, %arg1: i32, %arg2: memref<1024x32xf32, #tpu.memory_space<hbm>>, %arg3: memref<4096xi32, #tpu.memory_space<hbm>>, %arg4: memref<4096x32xf32, #tpu.memory_space<hbm>>, %arg5: memref<128xi32, #tpu.memory_space<vmem>>, %arg6: memref<128x32xf32, #tpu.memory_space<vmem>>, %arg7: memref<!tpu.dma_semaphore, #tpu.memory_space<semaphore_mem>>) attributes {dimension_semantics = [#tpu.dimension_semantics<core_parallel>, #tpu.dimension_semantics<subcore_parallel>], iteration_bounds = array<i64: 2, 16>, scalar_prefetch = 0 : i64, scratch_operands = 3 : i64, tpu.core_type = #tpu.core_type<sc_vector_subcore>, window_params = [{transform_indices = #map}, {transform_indices = #map1}, {transform_indices = #map}]} {
    %mul3A = arith.constant 2 : i32
    %mul3A_0 = arith.muli %arg1, %mul3A : i32
    %add3A = arith.addi %mul3A_0, %arg0 : i32
    %mul3A_1 = arith.constant 128 : i32
    %mul3A_2 = arith.muli %add3A, %mul3A_1 : i32
    "tpu.region"() ({
      %run_scoped3A = tpu.sem_alloc : memref<!tpu.dma_semaphore, #tpu.memory_space<semaphore_mem>>
      %dma_start3A_7 = tpu.memref_slice %arg3[%mul3A_2] : memref<4096xi32, #tpu.memory_space<hbm>> -> memref<128xi32, #tpu.memory_space<hbm>>
      %dma_start3A_8 = tpu.memref_slice %arg3[%mul3A_2] : memref<4096xi32, #tpu.memory_space<hbm>> -> memref<128xi32, #tpu.memory_space<hbm>>
      tpu.enqueue_dma source(%dma_start3A_8 : memref<128xi32, #tpu.memory_space<hbm>>) target(%arg5 : memref<128xi32, #tpu.memory_space<vmem>>) target_semaphore(%run_scoped3A : memref<!tpu.dma_semaphore, #tpu.memory_space<semaphore_mem>>)
      %dma_wait3A_9 = tpu.memref_slice %arg3[%mul3A_2] : memref<4096xi32, #tpu.memory_space<hbm>> -> memref<128xi32, #tpu.memory_space<hbm>>
      %dma_wait3A_10 = tpu.memref_slice %arg3[%mul3A_2] : memref<4096xi32, #tpu.memory_space<hbm>> -> memref<128xi32, #tpu.memory_space<hbm>>
      tpu.wait_dma2 semaphore(%run_scoped3A : memref<!tpu.dma_semaphore, #tpu.memory_space<semaphore_mem>>) src(%dma_wait3A_10 : memref<128xi32, #tpu.memory_space<hbm>>) dst(%arg5 : memref<128xi32, #tpu.memory_space<vmem>>)
      tpu.yield
    }) : () -> ()
    %dma_start3A = arith.constant 0 : i32
    %dma_start3A_3 = arith.constant 0 : i32
    %dma_start3A_4 = tpu.memref_slice %arg2[%dma_start3A, %dma_start3A_3] : memref<1024x32xf32, #tpu.memory_space<hbm>> -> memref<1024x32xf32, #tpu.memory_space<hbm>>
    tpu.enqueue_indirect_dma source(%dma_start3A_4 : memref<1024x32xf32, #tpu.memory_space<hbm>>) target(%arg6 : memref<128x32xf32, #tpu.memory_space<vmem>>) offsets(%arg5 : memref<128xi32, #tpu.memory_space<vmem>>) semaphore(%arg7 : memref<!tpu.dma_semaphore, #tpu.memory_space<semaphore_mem>>)
    %dma_wait3A = arith.constant 0 : i32
    %dma_wait3A_5 = arith.constant 0 : i32
    %dma_wait3A_6 = tpu.memref_slice %arg2[%dma_wait3A, %dma_wait3A_5] : memref<1024x32xf32, #tpu.memory_space<hbm>> -> memref<1024x32xf32, #tpu.memory_space<hbm>>
    tpu.wait_indirect_dma semaphore(%arg7 : memref<!tpu.dma_semaphore, #tpu.memory_space<semaphore_mem>>) src(%dma_wait3A_6 : memref<1024x32xf32, #tpu.memory_space<hbm>>) dst(%arg6 : memref<128x32xf32, #tpu.memory_space<vmem>>)
    "tpu.region"() ({
      %run_scoped3A = tpu.sem_alloc : memref<!tpu.dma_semaphore, #tpu.memory_space<semaphore_mem>>
      %dma_start3A_7 = arith.constant 0 : i32
      %dma_start3A_8 = tpu.memref_slice %arg4[%mul3A_2, %dma_start3A_7] : memref<4096x32xf32, #tpu.memory_space<hbm>> -> memref<128x32xf32, #tpu.memory_space<hbm>>
      %dma_start3A_9 = arith.constant 0 : i32
      %dma_start3A_10 = tpu.memref_slice %arg4[%mul3A_2, %dma_start3A_9] : memref<4096x32xf32, #tpu.memory_space<hbm>> -> memref<128x32xf32, #tpu.memory_space<hbm>>
      tpu.enqueue_dma source(%arg6 : memref<128x32xf32, #tpu.memory_space<vmem>>) target(%dma_start3A_10 : memref<128x32xf32, #tpu.memory_space<hbm>>) target_semaphore(%run_scoped3A : memref<!tpu.dma_semaphore, #tpu.memory_space<semaphore_mem>>)
      %dma_wait3A_11 = arith.constant 0 : i32
      %dma_wait3A_12 = tpu.memref_slice %arg4[%mul3A_2, %dma_wait3A_11] : memref<4096x32xf32, #tpu.memory_space<hbm>> -> memref<128x32xf32, #tpu.memory_space<hbm>>
      %dma_wait3A_13 = arith.constant 0 : i32
      %dma_wait3A_14 = tpu.memref_slice %arg4[%mul3A_2, %dma_wait3A_13] : memref<4096x32xf32, #tpu.memory_space<hbm>> -> memref<128x32xf32, #tpu.memory_space<hbm>>
      tpu.wait_dma2 semaphore(%run_scoped3A : memref<!tpu.dma_semaphore, #tpu.memory_space<semaphore_mem>>) src(%arg6 : memref<128x32xf32, #tpu.memory_space<vmem>>) dst(%dma_wait3A_14 : memref<128x32xf32, #tpu.memory_space<hbm>>)
      tpu.yield
    }) : () -> ()
    return
  }
}

module attributes {stable_mosaic.version = 14 : i64} {
  func.func @_vq_body(%arg0: i32, %arg1: memref<512x64xf32, #tpu.memory_space<vmem>>, %arg2: memref<2x512x32xf32, #tpu.memory_space<vmem>>, %arg3: memref<512x2xi32, #tpu.memory_space<vmem>>, %arg4: memref<512x2xi32, #tpu.memory_space<vmem>>, %arg5: memref<8x128xf32, #tpu.memory_space<vmem>>, %arg6: memref<2x512xf32, #tpu.memory_space<vmem>>, %arg7: memref<2x512xf32, #tpu.memory_space<vmem>>, %arg8: memref<1x1xf32, #tpu.memory_space<smem>>) attributes {dimension_semantics = [#tpu.dimension_semantics<arbitrary>], iteration_bounds = array<i64: 4>, scalar_prefetch = 0 : i64, scratch_operands = 3 : i64, tpu.core_type = #tpu.core_type<tc>, window_params = [{transform_indices = @transform_0, window_bounds = array<i64: 512, 64>}, {pipeline_mode = #tpu.pipeline_mode<synchronous>, transform_indices = @transform_1, window_bounds = array<i64: 2, 512, 32>}, {transform_indices = @transform_2, window_bounds = array<i64: 512, 2>}, {transform_indices = @transform_3, window_bounds = array<i64: 512, 2>}, {pipeline_mode = #tpu.pipeline_mode<synchronous>, transform_indices = @transform_4, window_bounds = array<i64: 8, 128>}]} {
    %eq3A = arith.constant 0 : i32
    %eq3A_0 = arith.cmpi eq, %arg0, %eq3A : i32
    %convert_element_type3A = arith.extui %eq3A_0 : i1 to i32
    %cond3A = arith.constant 0 : i32
    %cond3A_1 = arith.cmpi ne, %convert_element_type3A, %cond3A : i32
    scf.if %cond3A_1 {
      %broadcast_in_dim3A_760 = arith.constant 0.000000e+00 : f32
      %broadcast_in_dim3A_761 = vector.broadcast %broadcast_in_dim3A_760 : f32 to vector<2x512xf32>
      %swap3A_762 = arith.constant 0 : index
      %swap3A_763 = arith.constant 0 : index
      %swap3A_764 = vector.load %arg6[%swap3A_762, %swap3A_763] : memref<2x512xf32, #tpu.memory_space<vmem>>, vector<2x512xf32>
      tpu.vector_store %arg6[%swap3A_762, %swap3A_763], %broadcast_in_dim3A_761 {strides = array<i32>} : memref<2x512xf32, #tpu.memory_space<vmem>>, vector<2x512xf32>,
      %broadcast_in_dim3A_765 = arith.constant 0.000000e+00 : f32
      %broadcast_in_dim3A_766 = vector.broadcast %broadcast_in_dim3A_765 : f32 to vector<2x512xf32>
      %swap3A_767 = arith.constant 0 : index
      %swap3A_768 = arith.constant 0 : index
      %swap3A_769 = vector.load %arg7[%swap3A_767, %swap3A_768] : memref<2x512xf32, #tpu.memory_space<vmem>>, vector<2x512xf32>
      tpu.vector_store %arg7[%swap3A_767, %swap3A_768], %broadcast_in_dim3A_766 {strides = array<i32>} : memref<2x512xf32, #tpu.memory_space<vmem>>, vector<2x512xf32>,
      %swap3A_770 = arith.constant 0.000000e+00 : f32
      %swap3A_771 = arith.constant 0 : index
      %swap3A_772 = arith.constant 0 : index
      %swap3A_773 = memref.load %arg8[%swap3A_771, %swap3A_772] : memref<1x1xf32, #tpu.memory_space<smem>>
      memref.store %swap3A_770, %arg8[%swap3A_771, %swap3A_772] : memref<1x1xf32, #tpu.memory_space<smem>>
    } else {
    }
    %iota3A = tpu.iota {dimensions = array<i32: 1>} : vector<512x512xi32>
    %broadcast_in_dim3A = arith.constant 1.000000e+00 : f32
    %broadcast_in_dim3A_2 = vector.broadcast %broadcast_in_dim3A : f32 to vector<1x32xf32>
    %get3A = arith.constant 0 : index
    %get3A_3 = arith.constant 0 : index
    %get3A_4 = vector.load %arg1[%get3A, %get3A_3] : memref<512x64xf32, #tpu.memory_space<vmem>>, vector<512x32xf32>
    %get3A_5 = arith.constant 0 : index
    %get3A_6 = arith.constant 0 : index
    %get3A_7 = arith.constant 0 : index
    %get3A_8 = vector.load %arg2[%get3A_5, %get3A_6, %get3A_7] : memref<2x512x32xf32, #tpu.memory_space<vmem>>, vector<1x512x32xf32>
    %get3A_9 = vector.shape_cast %get3A_8 : vector<1x512x32xf32> to vector<512x32xf32>
    %convert_element_type3A_10 = arith.truncf %get3A_4 : vector<512x32xf32> to vector<512x32xbf16>
    %convert_element_type3A_11 = arith.truncf %get3A_9 : vector<512x32xf32> to vector<512x32xbf16>
    %dot_general3A = arith.constant dense<0.000000e+00> : vector<512x512xf32>
    %dot_general3A_12 = tpu.matmul %convert_element_type3A_10, %convert_element_type3A_11, %dot_general3A {dimension_numbers = #tpu.dot_dimension_numbers<[1], [1], [0], [0], [0, 0, 1, 0], [], []>, transpose_lhs_hint = false} : vector<512x32xbf16>, vector<512x32xbf16>, vector<512x512xf32> -> vector<512x512xf32>
    %mul3A = arith.mulf %get3A_9, %get3A_9 : vector<512x32xf32>
    %dot_general3A_13 = arith.constant dense<0.000000e+00> : vector<1x512xf32>
    %dot_general3A_14 = tpu.matmul %broadcast_in_dim3A_2, %mul3A, %dot_general3A_13 {dimension_numbers = #tpu.dot_dimension_numbers<[1], [1], [0], [0], [0, 0, 1, 0], [], []>, precision = #tpu.contract_precision<fp32>, transpose_lhs_hint = false} : vector<1x32xf32>, vector<512x32xf32>, vector<1x512xf32> -> vector<1x512xf32>
    %mul3A_15 = arith.mulf %get3A_4, %get3A_4 : vector<512x32xf32>
    %reduce_sum3A = arith.constant dense<0.000000e+00> : vector<512xf32>
    %reduce_sum3A_16 = vector.multi_reduction <add>, %mul3A_15, %reduce_sum3A [1] : vector<512x32xf32> to vector<512xf32>
    %broadcast_in_dim3A_17 = vector.shape_cast %reduce_sum3A_16 : vector<512xf32> to vector<512x1xf32>
    %add3A = vector.broadcast %dot_general3A_14 : vector<1x512xf32> to vector<512x512xf32>
    %add3A_18 = vector.broadcast %broadcast_in_dim3A_17 : vector<512x1xf32> to vector<512x512xf32>
    %add3A_19 = arith.addf %add3A, %add3A_18 : vector<512x512xf32>
    %mul3A_20 = arith.constant 2.000000e+00 : f32
    %mul3A_21 = vector.broadcast %mul3A_20 : f32 to vector<512x512xf32>
    %mul3A_22 = arith.mulf %mul3A_21, %dot_general3A_12 : vector<512x512xf32>
    %sub3A = arith.subf %add3A_19, %mul3A_22 : vector<512x512xf32>
    %mul3A_23 = arith.constant -1.000000e+00 : f32
    %mul3A_24 = vector.broadcast %mul3A_23 : f32 to vector<512x512xf32>
    %mul3A_25 = arith.mulf %mul3A_24, %sub3A : vector<512x512xf32>
    %reduce_max3A = arith.constant dense<0xFF800000> : vector<512xf32>
    %reduce_max3A_26 = vector.multi_reduction <maximumf>, %mul3A_25, %reduce_max3A [1] : vector<512x512xf32> to vector<512xf32>
    %broadcast_in_dim3A_27 = vector.shape_cast %reduce_max3A_26 : vector<512xf32> to vector<512x1xf32>
    %eq3A_28 = vector.broadcast %broadcast_in_dim3A_27 : vector<512x1xf32> to vector<512x512xf32>
    %eq3A_29 = arith.cmpf oeq, %mul3A_25, %eq3A_28 : vector<512x512xf32>
    %jit3A = arith.constant 512 : i32
    %broadcast_in_dim3A_30 = vector.broadcast %jit3A : i32 to vector<512x512xi32>
    %select_n3A = arith.select %eq3A_29, %iota3A, %broadcast_in_dim3A_30 : vector<512x512xi1>, vector<512x512xi32>
    %reduce_min3A = arith.constant dense<2147483647> : vector<512xi32>
    %reduce_min3A_31 = vector.multi_reduction <minsi>, %select_n3A, %reduce_min3A [1] : vector<512x512xi32> to vector<512xi32>
    %broadcast_in_dim3A_32 = vector.shape_cast %reduce_min3A_31 : vector<512xi32> to vector<512x1xi32>
    %eq3A_33 = vector.broadcast %broadcast_in_dim3A_32 : vector<512x1xi32> to vector<512x512xi32>
    %eq3A_34 = arith.cmpi eq, %iota3A, %eq3A_33 : vector<512x512xi32>
    %convert_element_type3A_35 = arith.extui %eq3A_34 : vector<512x512xi1> to vector<512x512xi32>
    %convert_element_type3A_36 = arith.sitofp %convert_element_type3A_35 : vector<512x512xi32> to vector<512x512xf32>
    %get3A_37 = arith.constant 0 : index
    %get3A_38 = arith.constant 0 : index
    %get3A_39 = vector.load %arg6[%get3A_37, %get3A_38] : memref<2x512xf32, #tpu.memory_space<vmem>>, vector<1x512xf32>
    %reduce_sum3A_40 = arith.constant dense<0.000000e+00> : vector<512xf32>
    %reduce_sum3A_41 = vector.multi_reduction <add>, %convert_element_type3A_36, %reduce_sum3A_40 [0] : vector<512x512xf32> to vector<512xf32>
    %broadcast_in_dim3A_42 = vector.shape_cast %reduce_sum3A_41 : vector<512xf32> to vector<1x512xf32>
    %add3A_43 = arith.addf %get3A_39, %broadcast_in_dim3A_42 : vector<1x512xf32>
    %swap3A = arith.constant 0 : index
    %swap3A_44 = arith.constant 0 : index
    %swap3A_45 = vector.load %arg6[%swap3A, %swap3A_44] : memref<2x512xf32, #tpu.memory_space<vmem>>, vector<1x512xf32>
    tpu.vector_store %arg6[%swap3A, %swap3A_44], %add3A_43 {strides = array<i32>} : memref<2x512xf32, #tpu.memory_space<vmem>>, vector<1x512xf32>,
    %sub3A_46 = vector.broadcast %broadcast_in_dim3A_27 : vector<512x1xf32> to vector<512x512xf32>
    %sub3A_47 = arith.subf %mul3A_25, %sub3A_46 : vector<512x512xf32>
    %exp3A = math.exp %sub3A_47 : vector<512x512xf32>
    %reduce_sum3A_48 = arith.constant dense<0.000000e+00> : vector<512xf32>
    %reduce_sum3A_49 = vector.multi_reduction <add>, %exp3A, %reduce_sum3A_48 [1] : vector<512x512xf32> to vector<512xf32>
    %broadcast_in_dim3A_50 = vector.shape_cast %reduce_sum3A_49 : vector<512xf32> to vector<512x1xf32>
    %div3A = vector.broadcast %broadcast_in_dim3A_50 : vector<512x1xf32> to vector<512x512xf32>
    %div3A_51 = arith.divf %exp3A, %div3A : vector<512x512xf32>
    %get3A_52 = arith.constant 0 : index
    %get3A_53 = arith.constant 0 : index
    %get3A_54 = vector.load %arg7[%get3A_52, %get3A_53] : memref<2x512xf32, #tpu.memory_space<vmem>>, vector<1x512xf32>
    %reduce_sum3A_55 = arith.constant dense<0.000000e+00> : vector<512xf32>
    %reduce_sum3A_56 = vector.multi_reduction <add>, %div3A_51, %reduce_sum3A_55 [0] : vector<512x512xf32> to vector<512xf32>
    %broadcast_in_dim3A_57 = vector.shape_cast %reduce_sum3A_56 : vector<512xf32> to vector<1x512xf32>
    %add3A_58 = arith.addf %get3A_54, %broadcast_in_dim3A_57 : vector<1x512xf32>
    %swap3A_59 = arith.constant 0 : index
    %swap3A_60 = arith.constant 0 : index
    %swap3A_61 = vector.load %arg7[%swap3A_59, %swap3A_60] : memref<2x512xf32, #tpu.memory_space<vmem>>, vector<1x512xf32>
    tpu.vector_store %arg7[%swap3A_59, %swap3A_60], %add3A_58 {strides = array<i32>} : memref<2x512xf32, #tpu.memory_space<vmem>>, vector<1x512xf32>,
    %iota3A_62 = tpu.iota {dimensions = array<i32: 0>} : vector<512x512xi32>
    %mul3A_63 = arith.constant 512 : i32
    %mul3A_64 = arith.muli %arg0, %mul3A_63 : i32
    %add3A_65 = vector.broadcast %mul3A_64 : i32 to vector<512x512xi32>
    %add3A_66 = arith.addi %iota3A_62, %add3A_65 : vector<512x512xi32>
    %iota3A_67 = tpu.iota {dimensions = array<i32: 1>} : vector<512x512xi32>
    %mul3A_68 = arith.constant 2 : i32
    %mul3A_69 = vector.broadcast %mul3A_68 : i32 to vector<512x512xi32>
    %mul3A_70 = arith.muli %add3A_66, %mul3A_69 : vector<512x512xi32>
    %add3A_71 = arith.constant 0 : i32
    %add3A_72 = vector.broadcast %add3A_71 : i32 to vector<512x512xi32>
    %add3A_73 = arith.addi %mul3A_70, %add3A_72 : vector<512x512xi32>
    %mul3A_74 = arith.constant 512 : i32
    %mul3A_75 = vector.broadcast %mul3A_74 : i32 to vector<512x512xi32>
    %mul3A_76 = arith.muli %add3A_73, %mul3A_75 : vector<512x512xi32>
    %add3A_77 = arith.addi %mul3A_76, %iota3A_67 : vector<512x512xi32>
    %broadcast_in_dim3A_78 = arith.constant 0 : i32
    %broadcast_in_dim3A_79 = vector.broadcast %broadcast_in_dim3A_78 : i32 to vector<512x512xi32>
    %xor3A = arith.constant 0 : i32
    %xor3A_80 = arith.constant 1 : i32
    %xor3A_81 = arith.xori %xor3A, %xor3A_80 : i32
    %xor3A_82 = arith.constant 466688986 : i32
    %xor3A_83 = arith.xori %xor3A_81, %xor3A_82 : i32
    %add3A_84 = arith.constant 0 : i32
    %add3A_85 = vector.broadcast %add3A_84 : i32 to vector<512x512xi32>
    %add3A_86 = arith.addi %broadcast_in_dim3A_79, %add3A_85 : vector<512x512xi32>
    %add3A_87 = arith.constant 1 : i32
    %add3A_88 = vector.broadcast %add3A_87 : i32 to vector<512x512xi32>
    %add3A_89 = arith.addi %add3A_77, %add3A_88 : vector<512x512xi32>
    %add3A_90 = arith.addi %add3A_86, %add3A_89 : vector<512x512xi32>
    %shift_left3A = arith.constant 13 : i32
    %shift_left3A_91 = vector.broadcast %shift_left3A : i32 to vector<512x512xi32>
    %shift_left3A_92 = arith.shli %add3A_89, %shift_left3A_91 : vector<512x512xi32>
    %shift_right_logical3A = arith.constant 19 : i32
    %shift_right_logical3A_93 = vector.broadcast %shift_right_logical3A : i32 to vector<512x512xi32>
    %shift_right_logical3A_94 = arith.shrui %add3A_89, %shift_right_logical3A_93 : vector<512x512xi32>
    %or3A = arith.ori %shift_left3A_92, %shift_right_logical3A_94 : vector<512x512xi32>
    %xor3A_95 = arith.xori %add3A_90, %or3A : vector<512x512xi32>
    %add3A_96 = arith.addi %add3A_90, %xor3A_95 : vector<512x512xi32>
    %shift_left3A_97 = arith.constant 15 : i32
    %shift_left3A_98 = vector.broadcast %shift_left3A_97 : i32 to vector<512x512xi32>
    %shift_left3A_99 = arith.shli %xor3A_95, %shift_left3A_98 : vector<512x512xi32>
    %shift_right_logical3A_100 = arith.constant 17 : i32
    %shift_right_logical3A_101 = vector.broadcast %shift_right_logical3A_100 : i32 to vector<512x512xi32>
    %shift_right_logical3A_102 = arith.shrui %xor3A_95, %shift_right_logical3A_101 : vector<512x512xi32>
    %or3A_103 = arith.ori %shift_left3A_99, %shift_right_logical3A_102 : vector<512x512xi32>
    %xor3A_104 = arith.xori %add3A_96, %or3A_103 : vector<512x512xi32>
    %add3A_105 = arith.addi %add3A_96, %xor3A_104 : vector<512x512xi32>
    %shift_left3A_106 = arith.constant 26 : i32
    %shift_left3A_107 = vector.broadcast %shift_left3A_106 : i32 to vector<512x512xi32>
    %shift_left3A_108 = arith.shli %xor3A_104, %shift_left3A_107 : vector<512x512xi32>
    %shift_right_logical3A_109 = arith.constant 6 : i32
    %shift_right_logical3A_110 = vector.broadcast %shift_right_logical3A_109 : i32 to vector<512x512xi32>
    %shift_right_logical3A_111 = arith.shrui %xor3A_104, %shift_right_logical3A_110 : vector<512x512xi32>
    %or3A_112 = arith.ori %shift_left3A_108, %shift_right_logical3A_111 : vector<512x512xi32>
    %xor3A_113 = arith.xori %add3A_105, %or3A_112 : vector<512x512xi32>
    %add3A_114 = arith.addi %add3A_105, %xor3A_113 : vector<512x512xi32>
    %shift_left3A_115 = arith.constant 6 : i32
    %shift_left3A_116 = vector.broadcast %shift_left3A_115 : i32 to vector<512x512xi32>
    %shift_left3A_117 = arith.shli %xor3A_113, %shift_left3A_116 : vector<512x512xi32>
    %shift_right_logical3A_118 = arith.constant 26 : i32
    %shift_right_logical3A_119 = vector.broadcast %shift_right_logical3A_118 : i32 to vector<512x512xi32>
    %shift_right_logical3A_120 = arith.shrui %xor3A_113, %shift_right_logical3A_119 : vector<512x512xi32>
    %or3A_121 = arith.ori %shift_left3A_117, %shift_right_logical3A_120 : vector<512x512xi32>
    %xor3A_122 = arith.xori %add3A_114, %or3A_121 : vector<512x512xi32>
    %add3A_123 = arith.constant 1 : i32
    %add3A_124 = vector.broadcast %add3A_123 : i32 to vector<512x512xi32>
    %add3A_125 = arith.addi %add3A_114, %add3A_124 : vector<512x512xi32>
    %add3A_126 = vector.broadcast %xor3A_83 : i32 to vector<512x512xi32>
    %add3A_127 = arith.addi %xor3A_122, %add3A_126 : vector<512x512xi32>
    %add3A_128 = arith.constant 1 : i32
    %add3A_129 = vector.broadcast %add3A_128 : i32 to vector<512x512xi32>
    %add3A_130 = arith.addi %add3A_127, %add3A_129 : vector<512x512xi32>
    %add3A_131 = arith.addi %add3A_125, %add3A_130 : vector<512x512xi32>
    %shift_left3A_132 = arith.constant 17 : i32
    %shift_left3A_133 = vector.broadcast %shift_left3A_132 : i32 to vector<512x512xi32>
    %shift_left3A_134 = arith.shli %add3A_130, %shift_left3A_133 : vector<512x512xi32>
    %shift_right_logical3A_135 = arith.constant 15 : i32
    %shift_right_logical3A_136 = vector.broadcast %shift_right_logical3A_135 : i32 to vector<512x512xi32>
    %shift_right_logical3A_137 = arith.shrui %add3A_130, %shift_right_logical3A_136 : vector<512x512xi32>
    %or3A_138 = arith.ori %shift_left3A_134, %shift_right_logical3A_137 : vector<512x512xi32>
    %xor3A_139 = arith.xori %add3A_131, %or3A_138 : vector<512x512xi32>
    %add3A_140 = arith.addi %add3A_131, %xor3A_139 : vector<512x512xi32>
    %shift_left3A_141 = arith.constant 29 : i32
    %shift_left3A_142 = vector.broadcast %shift_left3A_141 : i32 to vector<512x512xi32>
    %shift_left3A_143 = arith.shli %xor3A_139, %shift_left3A_142 : vector<512x512xi32>
    %shift_right_logical3A_144 = arith.constant 3 : i32
    %shift_right_logical3A_145 = vector.broadcast %shift_right_logical3A_144 : i32 to vector<512x512xi32>
    %shift_right_logical3A_146 = arith.shrui %xor3A_139, %shift_right_logical3A_145 : vector<512x512xi32>
    %or3A_147 = arith.ori %shift_left3A_143, %shift_right_logical3A_146 : vector<512x512xi32>
    %xor3A_148 = arith.xori %add3A_140, %or3A_147 : vector<512x512xi32>
    %add3A_149 = arith.addi %add3A_140, %xor3A_148 : vector<512x512xi32>
    %shift_left3A_150 = arith.constant 16 : i32
    %shift_left3A_151 = vector.broadcast %shift_left3A_150 : i32 to vector<512x512xi32>
    %shift_left3A_152 = arith.shli %xor3A_148, %shift_left3A_151 : vector<512x512xi32>
    %shift_right_logical3A_153 = arith.constant 16 : i32
    %shift_right_logical3A_154 = vector.broadcast %shift_right_logical3A_153 : i32 to vector<512x512xi32>
    %shift_right_logical3A_155 = arith.shrui %xor3A_148, %shift_right_logical3A_154 : vector<512x512xi32>
    %or3A_156 = arith.ori %shift_left3A_152, %shift_right_logical3A_155 : vector<512x512xi32>
    %xor3A_157 = arith.xori %add3A_149, %or3A_156 : vector<512x512xi32>
    %add3A_158 = arith.addi %add3A_149, %xor3A_157 : vector<512x512xi32>
    %shift_left3A_159 = arith.constant 24 : i32
    %shift_left3A_160 = vector.broadcast %shift_left3A_159 : i32 to vector<512x512xi32>
    %shift_left3A_161 = arith.shli %xor3A_157, %shift_left3A_160 : vector<512x512xi32>
    %shift_right_logical3A_162 = arith.constant 8 : i32
    %shift_right_logical3A_163 = vector.broadcast %shift_right_logical3A_162 : i32 to vector<512x512xi32>
    %shift_right_logical3A_164 = arith.shrui %xor3A_157, %shift_right_logical3A_163 : vector<512x512xi32>
    %or3A_165 = arith.ori %shift_left3A_161, %shift_right_logical3A_164 : vector<512x512xi32>
    %xor3A_166 = arith.xori %add3A_158, %or3A_165 : vector<512x512xi32>
    %add3A_167 = vector.broadcast %xor3A_83 : i32 to vector<512x512xi32>
    %add3A_168 = arith.addi %add3A_158, %add3A_167 : vector<512x512xi32>
    %add3A_169 = arith.constant 0 : i32
    %add3A_170 = vector.broadcast %add3A_169 : i32 to vector<512x512xi32>
    %add3A_171 = arith.addi %xor3A_166, %add3A_170 : vector<512x512xi32>
    %add3A_172 = arith.constant 2 : i32
    %add3A_173 = vector.broadcast %add3A_172 : i32 to vector<512x512xi32>
    %add3A_174 = arith.addi %add3A_171, %add3A_173 : vector<512x512xi32>
    %add3A_175 = arith.addi %add3A_168, %add3A_174 : vector<512x512xi32>
    %shift_left3A_176 = arith.constant 13 : i32
    %shift_left3A_177 = vector.broadcast %shift_left3A_176 : i32 to vector<512x512xi32>
    %shift_left3A_178 = arith.shli %add3A_174, %shift_left3A_177 : vector<512x512xi32>
    %shift_right_logical3A_179 = arith.constant 19 : i32
    %shift_right_logical3A_180 = vector.broadcast %shift_right_logical3A_179 : i32 to vector<512x512xi32>
    %shift_right_logical3A_181 = arith.shrui %add3A_174, %shift_right_logical3A_180 : vector<512x512xi32>
    %or3A_182 = arith.ori %shift_left3A_178, %shift_right_logical3A_181 : vector<512x512xi32>
    %xor3A_183 = arith.xori %add3A_175, %or3A_182 : vector<512x512xi32>
    %add3A_184 = arith.addi %add3A_175, %xor3A_183 : vector<512x512xi32>
    %shift_left3A_185 = arith.constant 15 : i32
    %shift_left3A_186 = vector.broadcast %shift_left3A_185 : i32 to vector<512x512xi32>
    %shift_left3A_187 = arith.shli %xor3A_183, %shift_left3A_186 : vector<512x512xi32>
    %shift_right_logical3A_188 = arith.constant 17 : i32
    %shift_right_logical3A_189 = vector.broadcast %shift_right_logical3A_188 : i32 to vector<512x512xi32>
    %shift_right_logical3A_190 = arith.shrui %xor3A_183, %shift_right_logical3A_189 : vector<512x512xi32>
    %or3A_191 = arith.ori %shift_left3A_187, %shift_right_logical3A_190 : vector<512x512xi32>
    %xor3A_192 = arith.xori %add3A_184, %or3A_191 : vector<512x512xi32>
    %add3A_193 = arith.addi %add3A_184, %xor3A_192 : vector<512x512xi32>
    %shift_left3A_194 = arith.constant 26 : i32
    %shift_left3A_195 = vector.broadcast %shift_left3A_194 : i32 to vector<512x512xi32>
    %shift_left3A_196 = arith.shli %xor3A_192, %shift_left3A_195 : vector<512x512xi32>
    %shift_right_logical3A_197 = arith.constant 6 : i32
    %shift_right_logical3A_198 = vector.broadcast %shift_right_logical3A_197 : i32 to vector<512x512xi32>
    %shift_right_logical3A_199 = arith.shrui %xor3A_192, %shift_right_logical3A_198 : vector<512x512xi32>
    %or3A_200 = arith.ori %shift_left3A_196, %shift_right_logical3A_199 : vector<512x512xi32>
    %xor3A_201 = arith.xori %add3A_193, %or3A_200 : vector<512x512xi32>
    %add3A_202 = arith.addi %add3A_193, %xor3A_201 : vector<512x512xi32>
    %shift_left3A_203 = arith.constant 6 : i32
    %shift_left3A_204 = vector.broadcast %shift_left3A_203 : i32 to vector<512x512xi32>
    %shift_left3A_205 = arith.shli %xor3A_201, %shift_left3A_204 : vector<512x512xi32>
    %shift_right_logical3A_206 = arith.constant 26 : i32
    %shift_right_logical3A_207 = vector.broadcast %shift_right_logical3A_206 : i32 to vector<512x512xi32>
    %shift_right_logical3A_208 = arith.shrui %xor3A_201, %shift_right_logical3A_207 : vector<512x512xi32>
    %or3A_209 = arith.ori %shift_left3A_205, %shift_right_logical3A_208 : vector<512x512xi32>
    %xor3A_210 = arith.xori %add3A_202, %or3A_209 : vector<512x512xi32>
    %add3A_211 = arith.constant 0 : i32
    %add3A_212 = vector.broadcast %add3A_211 : i32 to vector<512x512xi32>
    %add3A_213 = arith.addi %add3A_202, %add3A_212 : vector<512x512xi32>
    %add3A_214 = arith.constant 1 : i32
    %add3A_215 = vector.broadcast %add3A_214 : i32 to vector<512x512xi32>
    %add3A_216 = arith.addi %xor3A_210, %add3A_215 : vector<512x512xi32>
    %add3A_217 = arith.constant 3 : i32
    %add3A_218 = vector.broadcast %add3A_217 : i32 to vector<512x512xi32>
    %add3A_219 = arith.addi %add3A_216, %add3A_218 : vector<512x512xi32>
    %add3A_220 = arith.addi %add3A_213, %add3A_219 : vector<512x512xi32>
    %shift_left3A_221 = arith.constant 17 : i32
    %shift_left3A_222 = vector.broadcast %shift_left3A_221 : i32 to vector<512x512xi32>
    %shift_left3A_223 = arith.shli %add3A_219, %shift_left3A_222 : vector<512x512xi32>
    %shift_right_logical3A_224 = arith.constant 15 : i32
    %shift_right_logical3A_225 = vector.broadcast %shift_right_logical3A_224 : i32 to vector<512x512xi32>
    %shift_right_logical3A_226 = arith.shrui %add3A_219, %shift_right_logical3A_225 : vector<512x512xi32>
    %or3A_227 = arith.ori %shift_left3A_223, %shift_right_logical3A_226 : vector<512x512xi32>
    %xor3A_228 = arith.xori %add3A_220, %or3A_227 : vector<512x512xi32>
    %add3A_229 = arith.addi %add3A_220, %xor3A_228 : vector<512x512xi32>
    %shift_left3A_230 = arith.constant 29 : i32
    %shift_left3A_231 = vector.broadcast %shift_left3A_230 : i32 to vector<512x512xi32>
    %shift_left3A_232 = arith.shli %xor3A_228, %shift_left3A_231 : vector<512x512xi32>
    %shift_right_logical3A_233 = arith.constant 3 : i32
    %shift_right_logical3A_234 = vector.broadcast %shift_right_logical3A_233 : i32 to vector<512x512xi32>
    %shift_right_logical3A_235 = arith.shrui %xor3A_228, %shift_right_logical3A_234 : vector<512x512xi32>
    %or3A_236 = arith.ori %shift_left3A_232, %shift_right_logical3A_235 : vector<512x512xi32>
    %xor3A_237 = arith.xori %add3A_229, %or3A_236 : vector<512x512xi32>
    %add3A_238 = arith.addi %add3A_229, %xor3A_237 : vector<512x512xi32>
    %shift_left3A_239 = arith.constant 16 : i32
    %shift_left3A_240 = vector.broadcast %shift_left3A_239 : i32 to vector<512x512xi32>
    %shift_left3A_241 = arith.shli %xor3A_237, %shift_left3A_240 : vector<512x512xi32>
    %shift_right_logical3A_242 = arith.constant 16 : i32
    %shift_right_logical3A_243 = vector.broadcast %shift_right_logical3A_242 : i32 to vector<512x512xi32>
    %shift_right_logical3A_244 = arith.shrui %xor3A_237, %shift_right_logical3A_243 : vector<512x512xi32>
    %or3A_245 = arith.ori %shift_left3A_241, %shift_right_logical3A_244 : vector<512x512xi32>
    %xor3A_246 = arith.xori %add3A_238, %or3A_245 : vector<512x512xi32>
    %add3A_247 = arith.addi %add3A_238, %xor3A_246 : vector<512x512xi32>
    %shift_left3A_248 = arith.constant 24 : i32
    %shift_left3A_249 = vector.broadcast %shift_left3A_248 : i32 to vector<512x512xi32>
    %shift_left3A_250 = arith.shli %xor3A_246, %shift_left3A_249 : vector<512x512xi32>
    %shift_right_logical3A_251 = arith.constant 8 : i32
    %shift_right_logical3A_252 = vector.broadcast %shift_right_logical3A_251 : i32 to vector<512x512xi32>
    %shift_right_logical3A_253 = arith.shrui %xor3A_246, %shift_right_logical3A_252 : vector<512x512xi32>
    %or3A_254 = arith.ori %shift_left3A_250, %shift_right_logical3A_253 : vector<512x512xi32>
    %xor3A_255 = arith.xori %add3A_247, %or3A_254 : vector<512x512xi32>
    %add3A_256 = arith.constant 1 : i32
    %add3A_257 = vector.broadcast %add3A_256 : i32 to vector<512x512xi32>
    %add3A_258 = arith.addi %add3A_247, %add3A_257 : vector<512x512xi32>
    %add3A_259 = vector.broadcast %xor3A_83 : i32 to vector<512x512xi32>
    %add3A_260 = arith.addi %xor3A_255, %add3A_259 : vector<512x512xi32>
    %add3A_261 = arith.constant 4 : i32
    %add3A_262 = vector.broadcast %add3A_261 : i32 to vector<512x512xi32>
    %add3A_263 = arith.addi %add3A_260, %add3A_262 : vector<512x512xi32>
    %add3A_264 = arith.addi %add3A_258, %add3A_263 : vector<512x512xi32>
    %shift_left3A_265 = arith.constant 13 : i32
    %shift_left3A_266 = vector.broadcast %shift_left3A_265 : i32 to vector<512x512xi32>
    %shift_left3A_267 = arith.shli %add3A_263, %shift_left3A_266 : vector<512x512xi32>
    %shift_right_logical3A_268 = arith.constant 19 : i32
    %shift_right_logical3A_269 = vector.broadcast %shift_right_logical3A_268 : i32 to vector<512x512xi32>
    %shift_right_logical3A_270 = arith.shrui %add3A_263, %shift_right_logical3A_269 : vector<512x512xi32>
    %or3A_271 = arith.ori %shift_left3A_267, %shift_right_logical3A_270 : vector<512x512xi32>
    %xor3A_272 = arith.xori %add3A_264, %or3A_271 : vector<512x512xi32>
    %add3A_273 = arith.addi %add3A_264, %xor3A_272 : vector<512x512xi32>
    %shift_left3A_274 = arith.constant 15 : i32
    %shift_left3A_275 = vector.broadcast %shift_left3A_274 : i32 to vector<512x512xi32>
    %shift_left3A_276 = arith.shli %xor3A_272, %shift_left3A_275 : vector<512x512xi32>
    %shift_right_logical3A_277 = arith.constant 17 : i32
    %shift_right_logical3A_278 = vector.broadcast %shift_right_logical3A_277 : i32 to vector<512x512xi32>
    %shift_right_logical3A_279 = arith.shrui %xor3A_272, %shift_right_logical3A_278 : vector<512x512xi32>
    %or3A_280 = arith.ori %shift_left3A_276, %shift_right_logical3A_279 : vector<512x512xi32>
    %xor3A_281 = arith.xori %add3A_273, %or3A_280 : vector<512x512xi32>
    %add3A_282 = arith.addi %add3A_273, %xor3A_281 : vector<512x512xi32>
    %shift_left3A_283 = arith.constant 26 : i32
    %shift_left3A_284 = vector.broadcast %shift_left3A_283 : i32 to vector<512x512xi32>
    %shift_left3A_285 = arith.shli %xor3A_281, %shift_left3A_284 : vector<512x512xi32>
    %shift_right_logical3A_286 = arith.constant 6 : i32
    %shift_right_logical3A_287 = vector.broadcast %shift_right_logical3A_286 : i32 to vector<512x512xi32>
    %shift_right_logical3A_288 = arith.shrui %xor3A_281, %shift_right_logical3A_287 : vector<512x512xi32>
    %or3A_289 = arith.ori %shift_left3A_285, %shift_right_logical3A_288 : vector<512x512xi32>
    %xor3A_290 = arith.xori %add3A_282, %or3A_289 : vector<512x512xi32>
    %add3A_291 = arith.addi %add3A_282, %xor3A_290 : vector<512x512xi32>
    %shift_left3A_292 = arith.constant 6 : i32
    %shift_left3A_293 = vector.broadcast %shift_left3A_292 : i32 to vector<512x512xi32>
    %shift_left3A_294 = arith.shli %xor3A_290, %shift_left3A_293 : vector<512x512xi32>
    %shift_right_logical3A_295 = arith.constant 26 : i32
    %shift_right_logical3A_296 = vector.broadcast %shift_right_logical3A_295 : i32 to vector<512x512xi32>
    %shift_right_logical3A_297 = arith.shrui %xor3A_290, %shift_right_logical3A_296 : vector<512x512xi32>
    %or3A_298 = arith.ori %shift_left3A_294, %shift_right_logical3A_297 : vector<512x512xi32>
    %xor3A_299 = arith.xori %add3A_291, %or3A_298 : vector<512x512xi32>
    %add3A_300 = vector.broadcast %xor3A_83 : i32 to vector<512x512xi32>
    %add3A_301 = arith.addi %add3A_291, %add3A_300 : vector<512x512xi32>
    %add3A_302 = arith.constant 0 : i32
    %add3A_303 = vector.broadcast %add3A_302 : i32 to vector<512x512xi32>
    %add3A_304 = arith.addi %xor3A_299, %add3A_303 : vector<512x512xi32>
    %add3A_305 = arith.constant 5 : i32
    %add3A_306 = vector.broadcast %add3A_305 : i32 to vector<512x512xi32>
    %add3A_307 = arith.addi %add3A_304, %add3A_306 : vector<512x512xi32>
    %xor3A_308 = arith.xori %add3A_301, %add3A_307 : vector<512x512xi32>
    %shift_right_logical3A_309 = arith.constant 9 : i32
    %shift_right_logical3A_310 = vector.broadcast %shift_right_logical3A_309 : i32 to vector<512x512xi32>
    %shift_right_logical3A_311 = arith.shrui %xor3A_308, %shift_right_logical3A_310 : vector<512x512xi32>
    %or3A_312 = arith.constant 1065353216 : i32
    %or3A_313 = vector.broadcast %or3A_312 : i32 to vector<512x512xi32>
    %or3A_314 = arith.ori %shift_right_logical3A_311, %or3A_313 : vector<512x512xi32>
    %bitcast_convert_type3A = tpu.bitcast %or3A_314 : vector<512x512xi32> -> vector<512x512xf32>
    %sub3A_315 = arith.constant 1.000000e+00 : f32
    %sub3A_316 = vector.broadcast %sub3A_315 : f32 to vector<512x512xf32>
    %sub3A_317 = arith.subf %bitcast_convert_type3A, %sub3A_316 : vector<512x512xf32>
    %mul3A_318 = arith.constant 0.999997973 : f32
    %mul3A_319 = vector.broadcast %mul3A_318 : f32 to vector<512x512xf32>
    %mul3A_320 = arith.mulf %sub3A_317, %mul3A_319 : vector<512x512xf32>
    %add3A_321 = arith.constant 9.99999997E-7 : f32
    %add3A_322 = vector.broadcast %add3A_321 : f32 to vector<512x512xf32>
    %add3A_323 = arith.addf %mul3A_320, %add3A_322 : vector<512x512xf32>
    %max3A = arith.constant 9.99999997E-7 : f32
    %max3A_324 = vector.broadcast %max3A : f32 to vector<512x512xf32>
    %max3A_325 = arith.maximumf %max3A_324, %add3A_323 : vector<512x512xf32>
    %log3A = math.log %max3A_325 : vector<512x512xf32>
    %neg3A = arith.constant 0.000000e+00 : f32
    %neg3A_326 = vector.broadcast %neg3A : f32 to vector<512x512xf32>
    %neg3A_327 = arith.subf %neg3A_326, %log3A : vector<512x512xf32>
    %log3A_328 = math.log %neg3A_327 : vector<512x512xf32>
    %neg3A_329 = arith.constant 0.000000e+00 : f32
    %neg3A_330 = vector.broadcast %neg3A_329 : f32 to vector<512x512xf32>
    %neg3A_331 = arith.subf %neg3A_330, %log3A_328 : vector<512x512xf32>
    %add3A_332 = arith.addf %mul3A_25, %neg3A_331 : vector<512x512xf32>
    %reduce_max3A_333 = arith.constant dense<0xFF800000> : vector<512xf32>
    %reduce_max3A_334 = vector.multi_reduction <maximumf>, %add3A_332, %reduce_max3A_333 [1] : vector<512x512xf32> to vector<512xf32>
    %broadcast_in_dim3A_335 = vector.shape_cast %reduce_max3A_334 : vector<512xf32> to vector<512x1xf32>
    %eq3A_336 = vector.broadcast %broadcast_in_dim3A_335 : vector<512x1xf32> to vector<512x512xf32>
    %eq3A_337 = arith.cmpf oeq, %add3A_332, %eq3A_336 : vector<512x512xf32>
    %jit3A_338 = arith.constant 512 : i32
    %broadcast_in_dim3A_339 = vector.broadcast %jit3A_338 : i32 to vector<512x512xi32>
    %select_n3A_340 = arith.select %eq3A_337, %iota3A, %broadcast_in_dim3A_339 : vector<512x512xi1>, vector<512x512xi32>
    %reduce_min3A_341 = arith.constant dense<2147483647> : vector<512xi32>
    %reduce_min3A_342 = vector.multi_reduction <minsi>, %select_n3A_340, %reduce_min3A_341 [1] : vector<512x512xi32> to vector<512xi32>
    %broadcast_in_dim3A_343 = vector.shape_cast %reduce_min3A_342 : vector<512xi32> to vector<512x1xi32>
    %eq3A_344 = vector.broadcast %broadcast_in_dim3A_343 : vector<512x1xi32> to vector<512x512xi32>
    %eq3A_345 = arith.cmpi eq, %iota3A, %eq3A_344 : vector<512x512xi32>
    %convert_element_type3A_346 = arith.extui %eq3A_345 : vector<512x512xi1> to vector<512x512xi32>
    %convert_element_type3A_347 = arith.sitofp %convert_element_type3A_346 : vector<512x512xi32> to vector<512x512xf32>
    %neg3A_348 = arith.constant 0.000000e+00 : f32
    %neg3A_349 = vector.broadcast %neg3A_348 : f32 to vector<512x512xf32>
    %neg3A_350 = arith.subf %neg3A_349, %mul3A_25 : vector<512x512xf32>
    %mul3A_351 = arith.mulf %convert_element_type3A_347, %neg3A_350 : vector<512x512xf32>
    %reduce_sum3A_352 = vector.shape_cast %mul3A_351 : vector<512x512xf32> to vector<1x512x512xf32>
    %reduce_sum3A_353 = arith.constant dense<0.000000e+00> : vector<1xf32>
    %reduce_sum3A_354 = vector.multi_reduction <add>, %reduce_sum3A_352, %reduce_sum3A_353 [1, 2] : vector<1x512x512xf32> to vector<1xf32>
    %reduce_sum3A_355 = vector.shape_cast %reduce_sum3A_354 : vector<1xf32> to vector<1x1x1xf32>
    %reduce_sum3A_356 = vector.extract %reduce_sum3A_355[0, 0, 0] : f32 from vector<1x1x1xf32>
    %add3A_357 = arith.constant 0.000000e+00 : f32
    %add3A_358 = arith.addf %add3A_357, %reduce_sum3A_356 : f32
    %add3A_359 = arith.constant 0 : i32
    %add3A_360 = vector.broadcast %add3A_359 : i32 to vector<512x1xi32>
    %add3A_361 = arith.addi %broadcast_in_dim3A_343, %add3A_360 : vector<512x1xi32>
    %get3A_362 = arith.constant 0 : index
    %get3A_363 = arith.constant 32 : index
    %get3A_364 = vector.load %arg1[%get3A_362, %get3A_363] : memref<512x64xf32, #tpu.memory_space<vmem>>, vector<512x32xf32>
    %get3A_365 = arith.constant 1 : index
    %get3A_366 = arith.constant 0 : index
    %get3A_367 = arith.constant 0 : index
    %get3A_368 = vector.load %arg2[%get3A_365, %get3A_366, %get3A_367] : memref<2x512x32xf32, #tpu.memory_space<vmem>>, vector<1x512x32xf32>
    %get3A_369 = vector.shape_cast %get3A_368 : vector<1x512x32xf32> to vector<512x32xf32>
    %convert_element_type3A_370 = arith.truncf %get3A_364 : vector<512x32xf32> to vector<512x32xbf16>
    %convert_element_type3A_371 = arith.truncf %get3A_369 : vector<512x32xf32> to vector<512x32xbf16>
    %dot_general3A_372 = arith.constant dense<0.000000e+00> : vector<512x512xf32>
    %dot_general3A_373 = tpu.matmul %convert_element_type3A_370, %convert_element_type3A_371, %dot_general3A_372 {dimension_numbers = #tpu.dot_dimension_numbers<[1], [1], [0], [0], [0, 0, 1, 0], [], []>, transpose_lhs_hint = false} : vector<512x32xbf16>, vector<512x32xbf16>, vector<512x512xf32> -> vector<512x512xf32>
    %mul3A_374 = arith.mulf %get3A_369, %get3A_369 : vector<512x32xf32>
    %dot_general3A_375 = arith.constant dense<0.000000e+00> : vector<1x512xf32>
    %dot_general3A_376 = tpu.matmul %broadcast_in_dim3A_2, %mul3A_374, %dot_general3A_375 {dimension_numbers = #tpu.dot_dimension_numbers<[1], [1], [0], [0], [0, 0, 1, 0], [], []>, precision = #tpu.contract_precision<fp32>, transpose_lhs_hint = false} : vector<1x32xf32>, vector<512x32xf32>, vector<1x512xf32> -> vector<1x512xf32>
    %mul3A_377 = arith.mulf %get3A_364, %get3A_364 : vector<512x32xf32>
    %reduce_sum3A_378 = arith.constant dense<0.000000e+00> : vector<512xf32>
    %reduce_sum3A_379 = vector.multi_reduction <add>, %mul3A_377, %reduce_sum3A_378 [1] : vector<512x32xf32> to vector<512xf32>
    %broadcast_in_dim3A_380 = vector.shape_cast %reduce_sum3A_379 : vector<512xf32> to vector<512x1xf32>
    %add3A_381 = vector.broadcast %dot_general3A_376 : vector<1x512xf32> to vector<512x512xf32>
    %add3A_382 = vector.broadcast %broadcast_in_dim3A_380 : vector<512x1xf32> to vector<512x512xf32>
    %add3A_383 = arith.addf %add3A_381, %add3A_382 : vector<512x512xf32>
    %mul3A_384 = arith.constant 2.000000e+00 : f32
    %mul3A_385 = vector.broadcast %mul3A_384 : f32 to vector<512x512xf32>
    %mul3A_386 = arith.mulf %mul3A_385, %dot_general3A_373 : vector<512x512xf32>
    %sub3A_387 = arith.subf %add3A_383, %mul3A_386 : vector<512x512xf32>
    %mul3A_388 = arith.constant -1.000000e+00 : f32
    %mul3A_389 = vector.broadcast %mul3A_388 : f32 to vector<512x512xf32>
    %mul3A_390 = arith.mulf %mul3A_389, %sub3A_387 : vector<512x512xf32>
    %reduce_max3A_391 = arith.constant dense<0xFF800000> : vector<512xf32>
    %reduce_max3A_392 = vector.multi_reduction <maximumf>, %mul3A_390, %reduce_max3A_391 [1] : vector<512x512xf32> to vector<512xf32>
    %broadcast_in_dim3A_393 = vector.shape_cast %reduce_max3A_392 : vector<512xf32> to vector<512x1xf32>
    %eq3A_394 = vector.broadcast %broadcast_in_dim3A_393 : vector<512x1xf32> to vector<512x512xf32>
    %eq3A_395 = arith.cmpf oeq, %mul3A_390, %eq3A_394 : vector<512x512xf32>
    %jit3A_396 = arith.constant 512 : i32
    %broadcast_in_dim3A_397 = vector.broadcast %jit3A_396 : i32 to vector<512x512xi32>
    %select_n3A_398 = arith.select %eq3A_395, %iota3A, %broadcast_in_dim3A_397 : vector<512x512xi1>, vector<512x512xi32>
    %reduce_min3A_399 = arith.constant dense<2147483647> : vector<512xi32>
    %reduce_min3A_400 = vector.multi_reduction <minsi>, %select_n3A_398, %reduce_min3A_399 [1] : vector<512x512xi32> to vector<512xi32>
    %broadcast_in_dim3A_401 = vector.shape_cast %reduce_min3A_400 : vector<512xi32> to vector<512x1xi32>
    %eq3A_402 = vector.broadcast %broadcast_in_dim3A_401 : vector<512x1xi32> to vector<512x512xi32>
    %eq3A_403 = arith.cmpi eq, %iota3A, %eq3A_402 : vector<512x512xi32>
    %convert_element_type3A_404 = arith.extui %eq3A_403 : vector<512x512xi1> to vector<512x512xi32>
    %convert_element_type3A_405 = arith.sitofp %convert_element_type3A_404 : vector<512x512xi32> to vector<512x512xf32>
    %get3A_406 = arith.constant 1 : index
    %get3A_407 = arith.constant 0 : index
    %get3A_408 = vector.load %arg6[%get3A_406, %get3A_407] : memref<2x512xf32, #tpu.memory_space<vmem>>, vector<1x512xf32>
    %reduce_sum3A_409 = arith.constant dense<0.000000e+00> : vector<512xf32>
    %reduce_sum3A_410 = vector.multi_reduction <add>, %convert_element_type3A_405, %reduce_sum3A_409 [0] : vector<512x512xf32> to vector<512xf32>
    %broadcast_in_dim3A_411 = vector.shape_cast %reduce_sum3A_410 : vector<512xf32> to vector<1x512xf32>
    %add3A_412 = arith.addf %get3A_408, %broadcast_in_dim3A_411 : vector<1x512xf32>
    %swap3A_413 = arith.constant 1 : index
    %swap3A_414 = arith.constant 0 : index
    %swap3A_415 = vector.load %arg6[%swap3A_413, %swap3A_414] : memref<2x512xf32, #tpu.memory_space<vmem>>, vector<1x512xf32>
    tpu.vector_store %arg6[%swap3A_413, %swap3A_414], %add3A_412 {strides = array<i32>} : memref<2x512xf32, #tpu.memory_space<vmem>>, vector<1x512xf32>,
    %sub3A_416 = vector.broadcast %broadcast_in_dim3A_393 : vector<512x1xf32> to vector<512x512xf32>
    %sub3A_417 = arith.subf %mul3A_390, %sub3A_416 : vector<512x512xf32>
    %exp3A_418 = math.exp %sub3A_417 : vector<512x512xf32>
    %reduce_sum3A_419 = arith.constant dense<0.000000e+00> : vector<512xf32>
    %reduce_sum3A_420 = vector.multi_reduction <add>, %exp3A_418, %reduce_sum3A_419 [1] : vector<512x512xf32> to vector<512xf32>
    %broadcast_in_dim3A_421 = vector.shape_cast %reduce_sum3A_420 : vector<512xf32> to vector<512x1xf32>
    %div3A_422 = vector.broadcast %broadcast_in_dim3A_421 : vector<512x1xf32> to vector<512x512xf32>
    %div3A_423 = arith.divf %exp3A_418, %div3A_422 : vector<512x512xf32>
    %get3A_424 = arith.constant 1 : index
    %get3A_425 = arith.constant 0 : index
    %get3A_426 = vector.load %arg7[%get3A_424, %get3A_425] : memref<2x512xf32, #tpu.memory_space<vmem>>, vector<1x512xf32>
    %reduce_sum3A_427 = arith.constant dense<0.000000e+00> : vector<512xf32>
    %reduce_sum3A_428 = vector.multi_reduction <add>, %div3A_423, %reduce_sum3A_427 [0] : vector<512x512xf32> to vector<512xf32>
    %broadcast_in_dim3A_429 = vector.shape_cast %reduce_sum3A_428 : vector<512xf32> to vector<1x512xf32>
    %add3A_430 = arith.addf %get3A_426, %broadcast_in_dim3A_429 : vector<1x512xf32>
    %swap3A_431 = arith.constant 1 : index
    %swap3A_432 = arith.constant 0 : index
    %swap3A_433 = vector.load %arg7[%swap3A_431, %swap3A_432] : memref<2x512xf32, #tpu.memory_space<vmem>>, vector<1x512xf32>
    tpu.vector_store %arg7[%swap3A_431, %swap3A_432], %add3A_430 {strides = array<i32>} : memref<2x512xf32, #tpu.memory_space<vmem>>, vector<1x512xf32>,
    %iota3A_434 = tpu.iota {dimensions = array<i32: 0>} : vector<512x512xi32>
    %mul3A_435 = arith.constant 512 : i32
    %mul3A_436 = arith.muli %arg0, %mul3A_435 : i32
    %add3A_437 = vector.broadcast %mul3A_436 : i32 to vector<512x512xi32>
    %add3A_438 = arith.addi %iota3A_434, %add3A_437 : vector<512x512xi32>
    %iota3A_439 = tpu.iota {dimensions = array<i32: 1>} : vector<512x512xi32>
    %mul3A_440 = arith.constant 2 : i32
    %mul3A_441 = vector.broadcast %mul3A_440 : i32 to vector<512x512xi32>
    %mul3A_442 = arith.muli %add3A_438, %mul3A_441 : vector<512x512xi32>
    %add3A_443 = arith.constant 1 : i32
    %add3A_444 = vector.broadcast %add3A_443 : i32 to vector<512x512xi32>
    %add3A_445 = arith.addi %mul3A_442, %add3A_444 : vector<512x512xi32>
    %mul3A_446 = arith.constant 512 : i32
    %mul3A_447 = vector.broadcast %mul3A_446 : i32 to vector<512x512xi32>
    %mul3A_448 = arith.muli %add3A_445, %mul3A_447 : vector<512x512xi32>
    %add3A_449 = arith.addi %mul3A_448, %iota3A_439 : vector<512x512xi32>
    %broadcast_in_dim3A_450 = arith.constant 0 : i32
    %broadcast_in_dim3A_451 = vector.broadcast %broadcast_in_dim3A_450 : i32 to vector<512x512xi32>
    %xor3A_452 = arith.constant 0 : i32
    %xor3A_453 = arith.constant 1 : i32
    %xor3A_454 = arith.xori %xor3A_452, %xor3A_453 : i32
    %xor3A_455 = arith.constant 466688986 : i32
    %xor3A_456 = arith.xori %xor3A_454, %xor3A_455 : i32
    %add3A_457 = arith.constant 0 : i32
    %add3A_458 = vector.broadcast %add3A_457 : i32 to vector<512x512xi32>
    %add3A_459 = arith.addi %broadcast_in_dim3A_451, %add3A_458 : vector<512x512xi32>
    %add3A_460 = arith.constant 1 : i32
    %add3A_461 = vector.broadcast %add3A_460 : i32 to vector<512x512xi32>
    %add3A_462 = arith.addi %add3A_449, %add3A_461 : vector<512x512xi32>
    %add3A_463 = arith.addi %add3A_459, %add3A_462 : vector<512x512xi32>
    %shift_left3A_464 = arith.constant 13 : i32
    %shift_left3A_465 = vector.broadcast %shift_left3A_464 : i32 to vector<512x512xi32>
    %shift_left3A_466 = arith.shli %add3A_462, %shift_left3A_465 : vector<512x512xi32>
    %shift_right_logical3A_467 = arith.constant 19 : i32
    %shift_right_logical3A_468 = vector.broadcast %shift_right_logical3A_467 : i32 to vector<512x512xi32>
    %shift_right_logical3A_469 = arith.shrui %add3A_462, %shift_right_logical3A_468 : vector<512x512xi32>
    %or3A_470 = arith.ori %shift_left3A_466, %shift_right_logical3A_469 : vector<512x512xi32>
    %xor3A_471 = arith.xori %add3A_463, %or3A_470 : vector<512x512xi32>
    %add3A_472 = arith.addi %add3A_463, %xor3A_471 : vector<512x512xi32>
    %shift_left3A_473 = arith.constant 15 : i32
    %shift_left3A_474 = vector.broadcast %shift_left3A_473 : i32 to vector<512x512xi32>
    %shift_left3A_475 = arith.shli %xor3A_471, %shift_left3A_474 : vector<512x512xi32>
    %shift_right_logical3A_476 = arith.constant 17 : i32
    %shift_right_logical3A_477 = vector.broadcast %shift_right_logical3A_476 : i32 to vector<512x512xi32>
    %shift_right_logical3A_478 = arith.shrui %xor3A_471, %shift_right_logical3A_477 : vector<512x512xi32>
    %or3A_479 = arith.ori %shift_left3A_475, %shift_right_logical3A_478 : vector<512x512xi32>
    %xor3A_480 = arith.xori %add3A_472, %or3A_479 : vector<512x512xi32>
    %add3A_481 = arith.addi %add3A_472, %xor3A_480 : vector<512x512xi32>
    %shift_left3A_482 = arith.constant 26 : i32
    %shift_left3A_483 = vector.broadcast %shift_left3A_482 : i32 to vector<512x512xi32>
    %shift_left3A_484 = arith.shli %xor3A_480, %shift_left3A_483 : vector<512x512xi32>
    %shift_right_logical3A_485 = arith.constant 6 : i32
    %shift_right_logical3A_486 = vector.broadcast %shift_right_logical3A_485 : i32 to vector<512x512xi32>
    %shift_right_logical3A_487 = arith.shrui %xor3A_480, %shift_right_logical3A_486 : vector<512x512xi32>
    %or3A_488 = arith.ori %shift_left3A_484, %shift_right_logical3A_487 : vector<512x512xi32>
    %xor3A_489 = arith.xori %add3A_481, %or3A_488 : vector<512x512xi32>
    %add3A_490 = arith.addi %add3A_481, %xor3A_489 : vector<512x512xi32>
    %shift_left3A_491 = arith.constant 6 : i32
    %shift_left3A_492 = vector.broadcast %shift_left3A_491 : i32 to vector<512x512xi32>
    %shift_left3A_493 = arith.shli %xor3A_489, %shift_left3A_492 : vector<512x512xi32>
    %shift_right_logical3A_494 = arith.constant 26 : i32
    %shift_right_logical3A_495 = vector.broadcast %shift_right_logical3A_494 : i32 to vector<512x512xi32>
    %shift_right_logical3A_496 = arith.shrui %xor3A_489, %shift_right_logical3A_495 : vector<512x512xi32>
    %or3A_497 = arith.ori %shift_left3A_493, %shift_right_logical3A_496 : vector<512x512xi32>
    %xor3A_498 = arith.xori %add3A_490, %or3A_497 : vector<512x512xi32>
    %add3A_499 = arith.constant 1 : i32
    %add3A_500 = vector.broadcast %add3A_499 : i32 to vector<512x512xi32>
    %add3A_501 = arith.addi %add3A_490, %add3A_500 : vector<512x512xi32>
    %add3A_502 = vector.broadcast %xor3A_456 : i32 to vector<512x512xi32>
    %add3A_503 = arith.addi %xor3A_498, %add3A_502 : vector<512x512xi32>
    %add3A_504 = arith.constant 1 : i32
    %add3A_505 = vector.broadcast %add3A_504 : i32 to vector<512x512xi32>
    %add3A_506 = arith.addi %add3A_503, %add3A_505 : vector<512x512xi32>
    %add3A_507 = arith.addi %add3A_501, %add3A_506 : vector<512x512xi32>
    %shift_left3A_508 = arith.constant 17 : i32
    %shift_left3A_509 = vector.broadcast %shift_left3A_508 : i32 to vector<512x512xi32>
    %shift_left3A_510 = arith.shli %add3A_506, %shift_left3A_509 : vector<512x512xi32>
    %shift_right_logical3A_511 = arith.constant 15 : i32
    %shift_right_logical3A_512 = vector.broadcast %shift_right_logical3A_511 : i32 to vector<512x512xi32>
    %shift_right_logical3A_513 = arith.shrui %add3A_506, %shift_right_logical3A_512 : vector<512x512xi32>
    %or3A_514 = arith.ori %shift_left3A_510, %shift_right_logical3A_513 : vector<512x512xi32>
    %xor3A_515 = arith.xori %add3A_507, %or3A_514 : vector<512x512xi32>
    %add3A_516 = arith.addi %add3A_507, %xor3A_515 : vector<512x512xi32>
    %shift_left3A_517 = arith.constant 29 : i32
    %shift_left3A_518 = vector.broadcast %shift_left3A_517 : i32 to vector<512x512xi32>
    %shift_left3A_519 = arith.shli %xor3A_515, %shift_left3A_518 : vector<512x512xi32>
    %shift_right_logical3A_520 = arith.constant 3 : i32
    %shift_right_logical3A_521 = vector.broadcast %shift_right_logical3A_520 : i32 to vector<512x512xi32>
    %shift_right_logical3A_522 = arith.shrui %xor3A_515, %shift_right_logical3A_521 : vector<512x512xi32>
    %or3A_523 = arith.ori %shift_left3A_519, %shift_right_logical3A_522 : vector<512x512xi32>
    %xor3A_524 = arith.xori %add3A_516, %or3A_523 : vector<512x512xi32>
    %add3A_525 = arith.addi %add3A_516, %xor3A_524 : vector<512x512xi32>
    %shift_left3A_526 = arith.constant 16 : i32
    %shift_left3A_527 = vector.broadcast %shift_left3A_526 : i32 to vector<512x512xi32>
    %shift_left3A_528 = arith.shli %xor3A_524, %shift_left3A_527 : vector<512x512xi32>
    %shift_right_logical3A_529 = arith.constant 16 : i32
    %shift_right_logical3A_530 = vector.broadcast %shift_right_logical3A_529 : i32 to vector<512x512xi32>
    %shift_right_logical3A_531 = arith.shrui %xor3A_524, %shift_right_logical3A_530 : vector<512x512xi32>
    %or3A_532 = arith.ori %shift_left3A_528, %shift_right_logical3A_531 : vector<512x512xi32>
    %xor3A_533 = arith.xori %add3A_525, %or3A_532 : vector<512x512xi32>
    %add3A_534 = arith.addi %add3A_525, %xor3A_533 : vector<512x512xi32>
    %shift_left3A_535 = arith.constant 24 : i32
    %shift_left3A_536 = vector.broadcast %shift_left3A_535 : i32 to vector<512x512xi32>
    %shift_left3A_537 = arith.shli %xor3A_533, %shift_left3A_536 : vector<512x512xi32>
    %shift_right_logical3A_538 = arith.constant 8 : i32
    %shift_right_logical3A_539 = vector.broadcast %shift_right_logical3A_538 : i32 to vector<512x512xi32>
    %shift_right_logical3A_540 = arith.shrui %xor3A_533, %shift_right_logical3A_539 : vector<512x512xi32>
    %or3A_541 = arith.ori %shift_left3A_537, %shift_right_logical3A_540 : vector<512x512xi32>
    %xor3A_542 = arith.xori %add3A_534, %or3A_541 : vector<512x512xi32>
    %add3A_543 = vector.broadcast %xor3A_456 : i32 to vector<512x512xi32>
    %add3A_544 = arith.addi %add3A_534, %add3A_543 : vector<512x512xi32>
    %add3A_545 = arith.constant 0 : i32
    %add3A_546 = vector.broadcast %add3A_545 : i32 to vector<512x512xi32>
    %add3A_547 = arith.addi %xor3A_542, %add3A_546 : vector<512x512xi32>
    %add3A_548 = arith.constant 2 : i32
    %add3A_549 = vector.broadcast %add3A_548 : i32 to vector<512x512xi32>
    %add3A_550 = arith.addi %add3A_547, %add3A_549 : vector<512x512xi32>
    %add3A_551 = arith.addi %add3A_544, %add3A_550 : vector<512x512xi32>
    %shift_left3A_552 = arith.constant 13 : i32
    %shift_left3A_553 = vector.broadcast %shift_left3A_552 : i32 to vector<512x512xi32>
    %shift_left3A_554 = arith.shli %add3A_550, %shift_left3A_553 : vector<512x512xi32>
    %shift_right_logical3A_555 = arith.constant 19 : i32
    %shift_right_logical3A_556 = vector.broadcast %shift_right_logical3A_555 : i32 to vector<512x512xi32>
    %shift_right_logical3A_557 = arith.shrui %add3A_550, %shift_right_logical3A_556 : vector<512x512xi32>
    %or3A_558 = arith.ori %shift_left3A_554, %shift_right_logical3A_557 : vector<512x512xi32>
    %xor3A_559 = arith.xori %add3A_551, %or3A_558 : vector<512x512xi32>
    %add3A_560 = arith.addi %add3A_551, %xor3A_559 : vector<512x512xi32>
    %shift_left3A_561 = arith.constant 15 : i32
    %shift_left3A_562 = vector.broadcast %shift_left3A_561 : i32 to vector<512x512xi32>
    %shift_left3A_563 = arith.shli %xor3A_559, %shift_left3A_562 : vector<512x512xi32>
    %shift_right_logical3A_564 = arith.constant 17 : i32
    %shift_right_logical3A_565 = vector.broadcast %shift_right_logical3A_564 : i32 to vector<512x512xi32>
    %shift_right_logical3A_566 = arith.shrui %xor3A_559, %shift_right_logical3A_565 : vector<512x512xi32>
    %or3A_567 = arith.ori %shift_left3A_563, %shift_right_logical3A_566 : vector<512x512xi32>
    %xor3A_568 = arith.xori %add3A_560, %or3A_567 : vector<512x512xi32>
    %add3A_569 = arith.addi %add3A_560, %xor3A_568 : vector<512x512xi32>
    %shift_left3A_570 = arith.constant 26 : i32
    %shift_left3A_571 = vector.broadcast %shift_left3A_570 : i32 to vector<512x512xi32>
    %shift_left3A_572 = arith.shli %xor3A_568, %shift_left3A_571 : vector<512x512xi32>
    %shift_right_logical3A_573 = arith.constant 6 : i32
    %shift_right_logical3A_574 = vector.broadcast %shift_right_logical3A_573 : i32 to vector<512x512xi32>
    %shift_right_logical3A_575 = arith.shrui %xor3A_568, %shift_right_logical3A_574 : vector<512x512xi32>
    %or3A_576 = arith.ori %shift_left3A_572, %shift_right_logical3A_575 : vector<512x512xi32>
    %xor3A_577 = arith.xori %add3A_569, %or3A_576 : vector<512x512xi32>
    %add3A_578 = arith.addi %add3A_569, %xor3A_577 : vector<512x512xi32>
    %shift_left3A_579 = arith.constant 6 : i32
    %shift_left3A_580 = vector.broadcast %shift_left3A_579 : i32 to vector<512x512xi32>
    %shift_left3A_581 = arith.shli %xor3A_577, %shift_left3A_580 : vector<512x512xi32>
    %shift_right_logical3A_582 = arith.constant 26 : i32
    %shift_right_logical3A_583 = vector.broadcast %shift_right_logical3A_582 : i32 to vector<512x512xi32>
    %shift_right_logical3A_584 = arith.shrui %xor3A_577, %shift_right_logical3A_583 : vector<512x512xi32>
    %or3A_585 = arith.ori %shift_left3A_581, %shift_right_logical3A_584 : vector<512x512xi32>
    %xor3A_586 = arith.xori %add3A_578, %or3A_585 : vector<512x512xi32>
    %add3A_587 = arith.constant 0 : i32
    %add3A_588 = vector.broadcast %add3A_587 : i32 to vector<512x512xi32>
    %add3A_589 = arith.addi %add3A_578, %add3A_588 : vector<512x512xi32>
    %add3A_590 = arith.constant 1 : i32
    %add3A_591 = vector.broadcast %add3A_590 : i32 to vector<512x512xi32>
    %add3A_592 = arith.addi %xor3A_586, %add3A_591 : vector<512x512xi32>
    %add3A_593 = arith.constant 3 : i32
    %add3A_594 = vector.broadcast %add3A_593 : i32 to vector<512x512xi32>
    %add3A_595 = arith.addi %add3A_592, %add3A_594 : vector<512x512xi32>
    %add3A_596 = arith.addi %add3A_589, %add3A_595 : vector<512x512xi32>
    %shift_left3A_597 = arith.constant 17 : i32
    %shift_left3A_598 = vector.broadcast %shift_left3A_597 : i32 to vector<512x512xi32>
    %shift_left3A_599 = arith.shli %add3A_595, %shift_left3A_598 : vector<512x512xi32>
    %shift_right_logical3A_600 = arith.constant 15 : i32
    %shift_right_logical3A_601 = vector.broadcast %shift_right_logical3A_600 : i32 to vector<512x512xi32>
    %shift_right_logical3A_602 = arith.shrui %add3A_595, %shift_right_logical3A_601 : vector<512x512xi32>
    %or3A_603 = arith.ori %shift_left3A_599, %shift_right_logical3A_602 : vector<512x512xi32>
    %xor3A_604 = arith.xori %add3A_596, %or3A_603 : vector<512x512xi32>
    %add3A_605 = arith.addi %add3A_596, %xor3A_604 : vector<512x512xi32>
    %shift_left3A_606 = arith.constant 29 : i32
    %shift_left3A_607 = vector.broadcast %shift_left3A_606 : i32 to vector<512x512xi32>
    %shift_left3A_608 = arith.shli %xor3A_604, %shift_left3A_607 : vector<512x512xi32>
    %shift_right_logical3A_609 = arith.constant 3 : i32
    %shift_right_logical3A_610 = vector.broadcast %shift_right_logical3A_609 : i32 to vector<512x512xi32>
    %shift_right_logical3A_611 = arith.shrui %xor3A_604, %shift_right_logical3A_610 : vector<512x512xi32>
    %or3A_612 = arith.ori %shift_left3A_608, %shift_right_logical3A_611 : vector<512x512xi32>
    %xor3A_613 = arith.xori %add3A_605, %or3A_612 : vector<512x512xi32>
    %add3A_614 = arith.addi %add3A_605, %xor3A_613 : vector<512x512xi32>
    %shift_left3A_615 = arith.constant 16 : i32
    %shift_left3A_616 = vector.broadcast %shift_left3A_615 : i32 to vector<512x512xi32>
    %shift_left3A_617 = arith.shli %xor3A_613, %shift_left3A_616 : vector<512x512xi32>
    %shift_right_logical3A_618 = arith.constant 16 : i32
    %shift_right_logical3A_619 = vector.broadcast %shift_right_logical3A_618 : i32 to vector<512x512xi32>
    %shift_right_logical3A_620 = arith.shrui %xor3A_613, %shift_right_logical3A_619 : vector<512x512xi32>
    %or3A_621 = arith.ori %shift_left3A_617, %shift_right_logical3A_620 : vector<512x512xi32>
    %xor3A_622 = arith.xori %add3A_614, %or3A_621 : vector<512x512xi32>
    %add3A_623 = arith.addi %add3A_614, %xor3A_622 : vector<512x512xi32>
    %shift_left3A_624 = arith.constant 24 : i32
    %shift_left3A_625 = vector.broadcast %shift_left3A_624 : i32 to vector<512x512xi32>
    %shift_left3A_626 = arith.shli %xor3A_622, %shift_left3A_625 : vector<512x512xi32>
    %shift_right_logical3A_627 = arith.constant 8 : i32
    %shift_right_logical3A_628 = vector.broadcast %shift_right_logical3A_627 : i32 to vector<512x512xi32>
    %shift_right_logical3A_629 = arith.shrui %xor3A_622, %shift_right_logical3A_628 : vector<512x512xi32>
    %or3A_630 = arith.ori %shift_left3A_626, %shift_right_logical3A_629 : vector<512x512xi32>
    %xor3A_631 = arith.xori %add3A_623, %or3A_630 : vector<512x512xi32>
    %add3A_632 = arith.constant 1 : i32
    %add3A_633 = vector.broadcast %add3A_632 : i32 to vector<512x512xi32>
    %add3A_634 = arith.addi %add3A_623, %add3A_633 : vector<512x512xi32>
    %add3A_635 = vector.broadcast %xor3A_456 : i32 to vector<512x512xi32>
    %add3A_636 = arith.addi %xor3A_631, %add3A_635 : vector<512x512xi32>
    %add3A_637 = arith.constant 4 : i32
    %add3A_638 = vector.broadcast %add3A_637 : i32 to vector<512x512xi32>
    %add3A_639 = arith.addi %add3A_636, %add3A_638 : vector<512x512xi32>
    %add3A_640 = arith.addi %add3A_634, %add3A_639 : vector<512x512xi32>
    %shift_left3A_641 = arith.constant 13 : i32
    %shift_left3A_642 = vector.broadcast %shift_left3A_641 : i32 to vector<512x512xi32>
    %shift_left3A_643 = arith.shli %add3A_639, %shift_left3A_642 : vector<512x512xi32>
    %shift_right_logical3A_644 = arith.constant 19 : i32
    %shift_right_logical3A_645 = vector.broadcast %shift_right_logical3A_644 : i32 to vector<512x512xi32>
    %shift_right_logical3A_646 = arith.shrui %add3A_639, %shift_right_logical3A_645 : vector<512x512xi32>
    %or3A_647 = arith.ori %shift_left3A_643, %shift_right_logical3A_646 : vector<512x512xi32>
    %xor3A_648 = arith.xori %add3A_640, %or3A_647 : vector<512x512xi32>
    %add3A_649 = arith.addi %add3A_640, %xor3A_648 : vector<512x512xi32>
    %shift_left3A_650 = arith.constant 15 : i32
    %shift_left3A_651 = vector.broadcast %shift_left3A_650 : i32 to vector<512x512xi32>
    %shift_left3A_652 = arith.shli %xor3A_648, %shift_left3A_651 : vector<512x512xi32>
    %shift_right_logical3A_653 = arith.constant 17 : i32
    %shift_right_logical3A_654 = vector.broadcast %shift_right_logical3A_653 : i32 to vector<512x512xi32>
    %shift_right_logical3A_655 = arith.shrui %xor3A_648, %shift_right_logical3A_654 : vector<512x512xi32>
    %or3A_656 = arith.ori %shift_left3A_652, %shift_right_logical3A_655 : vector<512x512xi32>
    %xor3A_657 = arith.xori %add3A_649, %or3A_656 : vector<512x512xi32>
    %add3A_658 = arith.addi %add3A_649, %xor3A_657 : vector<512x512xi32>
    %shift_left3A_659 = arith.constant 26 : i32
    %shift_left3A_660 = vector.broadcast %shift_left3A_659 : i32 to vector<512x512xi32>
    %shift_left3A_661 = arith.shli %xor3A_657, %shift_left3A_660 : vector<512x512xi32>
    %shift_right_logical3A_662 = arith.constant 6 : i32
    %shift_right_logical3A_663 = vector.broadcast %shift_right_logical3A_662 : i32 to vector<512x512xi32>
    %shift_right_logical3A_664 = arith.shrui %xor3A_657, %shift_right_logical3A_663 : vector<512x512xi32>
    %or3A_665 = arith.ori %shift_left3A_661, %shift_right_logical3A_664 : vector<512x512xi32>
    %xor3A_666 = arith.xori %add3A_658, %or3A_665 : vector<512x512xi32>
    %add3A_667 = arith.addi %add3A_658, %xor3A_666 : vector<512x512xi32>
    %shift_left3A_668 = arith.constant 6 : i32
    %shift_left3A_669 = vector.broadcast %shift_left3A_668 : i32 to vector<512x512xi32>
    %shift_left3A_670 = arith.shli %xor3A_666, %shift_left3A_669 : vector<512x512xi32>
    %shift_right_logical3A_671 = arith.constant 26 : i32
    %shift_right_logical3A_672 = vector.broadcast %shift_right_logical3A_671 : i32 to vector<512x512xi32>
    %shift_right_logical3A_673 = arith.shrui %xor3A_666, %shift_right_logical3A_672 : vector<512x512xi32>
    %or3A_674 = arith.ori %shift_left3A_670, %shift_right_logical3A_673 : vector<512x512xi32>
    %xor3A_675 = arith.xori %add3A_667, %or3A_674 : vector<512x512xi32>
    %add3A_676 = vector.broadcast %xor3A_456 : i32 to vector<512x512xi32>
    %add3A_677 = arith.addi %add3A_667, %add3A_676 : vector<512x512xi32>
    %add3A_678 = arith.constant 0 : i32
    %add3A_679 = vector.broadcast %add3A_678 : i32 to vector<512x512xi32>
    %add3A_680 = arith.addi %xor3A_675, %add3A_679 : vector<512x512xi32>
    %add3A_681 = arith.constant 5 : i32
    %add3A_682 = vector.broadcast %add3A_681 : i32 to vector<512x512xi32>
    %add3A_683 = arith.addi %add3A_680, %add3A_682 : vector<512x512xi32>
    %xor3A_684 = arith.xori %add3A_677, %add3A_683 : vector<512x512xi32>
    %shift_right_logical3A_685 = arith.constant 9 : i32
    %shift_right_logical3A_686 = vector.broadcast %shift_right_logical3A_685 : i32 to vector<512x512xi32>
    %shift_right_logical3A_687 = arith.shrui %xor3A_684, %shift_right_logical3A_686 : vector<512x512xi32>
    %or3A_688 = arith.constant 1065353216 : i32
    %or3A_689 = vector.broadcast %or3A_688 : i32 to vector<512x512xi32>
    %or3A_690 = arith.ori %shift_right_logical3A_687, %or3A_689 : vector<512x512xi32>
    %bitcast_convert_type3A_691 = tpu.bitcast %or3A_690 : vector<512x512xi32> -> vector<512x512xf32>
    %sub3A_692 = arith.constant 1.000000e+00 : f32
    %sub3A_693 = vector.broadcast %sub3A_692 : f32 to vector<512x512xf32>
    %sub3A_694 = arith.subf %bitcast_convert_type3A_691, %sub3A_693 : vector<512x512xf32>
    %mul3A_695 = arith.constant 0.999997973 : f32
    %mul3A_696 = vector.broadcast %mul3A_695 : f32 to vector<512x512xf32>
    %mul3A_697 = arith.mulf %sub3A_694, %mul3A_696 : vector<512x512xf32>
    %add3A_698 = arith.constant 9.99999997E-7 : f32
    %add3A_699 = vector.broadcast %add3A_698 : f32 to vector<512x512xf32>
    %add3A_700 = arith.addf %mul3A_697, %add3A_699 : vector<512x512xf32>
    %max3A_701 = arith.constant 9.99999997E-7 : f32
    %max3A_702 = vector.broadcast %max3A_701 : f32 to vector<512x512xf32>
    %max3A_703 = arith.maximumf %max3A_702, %add3A_700 : vector<512x512xf32>
    %log3A_704 = math.log %max3A_703 : vector<512x512xf32>
    %neg3A_705 = arith.constant 0.000000e+00 : f32
    %neg3A_706 = vector.broadcast %neg3A_705 : f32 to vector<512x512xf32>
    %neg3A_707 = arith.subf %neg3A_706, %log3A_704 : vector<512x512xf32>
    %log3A_708 = math.log %neg3A_707 : vector<512x512xf32>
    %neg3A_709 = arith.constant 0.000000e+00 : f32
    %neg3A_710 = vector.broadcast %neg3A_709 : f32 to vector<512x512xf32>
    %neg3A_711 = arith.subf %neg3A_710, %log3A_708 : vector<512x512xf32>
    %add3A_712 = arith.addf %mul3A_390, %neg3A_711 : vector<512x512xf32>
    %reduce_max3A_713 = arith.constant dense<0xFF800000> : vector<512xf32>
    %reduce_max3A_714 = vector.multi_reduction <maximumf>, %add3A_712, %reduce_max3A_713 [1] : vector<512x512xf32> to vector<512xf32>
    %broadcast_in_dim3A_715 = vector.shape_cast %reduce_max3A_714 : vector<512xf32> to vector<512x1xf32>
    %eq3A_716 = vector.broadcast %broadcast_in_dim3A_715 : vector<512x1xf32> to vector<512x512xf32>
    %eq3A_717 = arith.cmpf oeq, %add3A_712, %eq3A_716 : vector<512x512xf32>
    %jit3A_718 = arith.constant 512 : i32
    %broadcast_in_dim3A_719 = vector.broadcast %jit3A_718 : i32 to vector<512x512xi32>
    %select_n3A_720 = arith.select %eq3A_717, %iota3A, %broadcast_in_dim3A_719 : vector<512x512xi1>, vector<512x512xi32>
    %reduce_min3A_721 = arith.constant dense<2147483647> : vector<512xi32>
    %reduce_min3A_722 = vector.multi_reduction <minsi>, %select_n3A_720, %reduce_min3A_721 [1] : vector<512x512xi32> to vector<512xi32>
    %broadcast_in_dim3A_723 = vector.shape_cast %reduce_min3A_722 : vector<512xi32> to vector<512x1xi32>
    %eq3A_724 = vector.broadcast %broadcast_in_dim3A_723 : vector<512x1xi32> to vector<512x512xi32>
    %eq3A_725 = arith.cmpi eq, %iota3A, %eq3A_724 : vector<512x512xi32>
    %convert_element_type3A_726 = arith.extui %eq3A_725 : vector<512x512xi1> to vector<512x512xi32>
    %convert_element_type3A_727 = arith.sitofp %convert_element_type3A_726 : vector<512x512xi32> to vector<512x512xf32>
    %neg3A_728 = arith.constant 0.000000e+00 : f32
    %neg3A_729 = vector.broadcast %neg3A_728 : f32 to vector<512x512xf32>
    %neg3A_730 = arith.subf %neg3A_729, %mul3A_390 : vector<512x512xf32>
    %mul3A_731 = arith.mulf %convert_element_type3A_727, %neg3A_730 : vector<512x512xf32>
    %reduce_sum3A_732 = vector.shape_cast %mul3A_731 : vector<512x512xf32> to vector<1x512x512xf32>
    %reduce_sum3A_733 = arith.constant dense<0.000000e+00> : vector<1xf32>
    %reduce_sum3A_734 = vector.multi_reduction <add>, %reduce_sum3A_732, %reduce_sum3A_733 [1, 2] : vector<1x512x512xf32> to vector<1xf32>
    %reduce_sum3A_735 = vector.shape_cast %reduce_sum3A_734 : vector<1xf32> to vector<1x1x1xf32>
    %reduce_sum3A_736 = vector.extract %reduce_sum3A_735[0, 0, 0] : f32 from vector<1x1x1xf32>
    %add3A_737 = arith.addf %add3A_358, %reduce_sum3A_736 : f32
    %add3A_738 = arith.constant 512 : i32
    %add3A_739 = vector.broadcast %add3A_738 : i32 to vector<512x1xi32>
    %add3A_740 = arith.addi %broadcast_in_dim3A_723, %add3A_739 : vector<512x1xi32>
    %get3A_741 = arith.constant 0 : index
    %get3A_742 = arith.constant 0 : index
    %get3A_743 = memref.load %arg8[%get3A_741, %get3A_742] : memref<1x1xf32, #tpu.memory_space<smem>>
    %add3A_744 = arith.addf %get3A_743, %add3A_737 : f32
    %swap3A_745 = arith.constant 0 : index
    %swap3A_746 = arith.constant 0 : index
    %swap3A_747 = memref.load %arg8[%swap3A_745, %swap3A_746] : memref<1x1xf32, #tpu.memory_space<smem>>
    memref.store %add3A_744, %arg8[%swap3A_745, %swap3A_746] : memref<1x1xf32, #tpu.memory_space<smem>>
    %concatenate3A = tpu.concatenate %broadcast_in_dim3A_343, %broadcast_in_dim3A_723 in 1 : vector<512x1xi32>, vector<512x1xi32> -> vector<512x2xi32>
    %swap3A_748 = arith.constant 0 : index
    %swap3A_749 = arith.constant 0 : index
    %swap3A_750 = vector.load %arg3[%swap3A_748, %swap3A_749] : memref<512x2xi32, #tpu.memory_space<vmem>>, vector<512x2xi32>
    tpu.vector_store %arg3[%swap3A_748, %swap3A_749], %concatenate3A {strides = array<i32>} : memref<512x2xi32, #tpu.memory_space<vmem>>, vector<512x2xi32>,
    %concatenate3A_751 = tpu.concatenate %add3A_361, %add3A_740 in 1 : vector<512x1xi32>, vector<512x1xi32> -> vector<512x2xi32>
    %swap3A_752 = arith.constant 0 : index
    %swap3A_753 = arith.constant 0 : index
    %swap3A_754 = vector.load %arg4[%swap3A_752, %swap3A_753] : memref<512x2xi32, #tpu.memory_space<vmem>>, vector<512x2xi32>
    tpu.vector_store %arg4[%swap3A_752, %swap3A_753], %concatenate3A_751 {strides = array<i32>} : memref<512x2xi32, #tpu.memory_space<vmem>>, vector<512x2xi32>,
    %eq3A_755 = arith.constant 3 : i32
    %eq3A_756 = arith.cmpi eq, %arg0, %eq3A_755 : i32
    %convert_element_type3A_757 = arith.extui %eq3A_756 : i1 to i32
    %cond3A_758 = arith.constant 0 : i32
    %cond3A_759 = arith.cmpi ne, %convert_element_type3A_757, %cond3A_758 : i32
    scf.if %cond3A_759 {
      %get3A_760 = arith.constant 0 : index
      %get3A_761 = arith.constant 0 : index
      %get3A_762 = vector.load %arg6[%get3A_760, %get3A_761] : memref<2x512xf32, #tpu.memory_space<vmem>>, vector<1x512xf32>
      %mul3A_763 = arith.constant 4.8828125E-4 : f32
      %mul3A_764 = vector.broadcast %mul3A_763 : f32 to vector<1x512xf32>
      %mul3A_765 = arith.mulf %get3A_762, %mul3A_764 : vector<1x512xf32>
      %add3A_766 = arith.constant 1.000000e-10 : f32
      %add3A_767 = vector.broadcast %add3A_766 : f32 to vector<1x512xf32>
      %add3A_768 = arith.addf %mul3A_765, %add3A_767 : vector<1x512xf32>
      %log3A_769 = math.log %add3A_768 : vector<1x512xf32>
      %log3A_770 = arith.constant 2.000000e+00 : f32
      %log3A_771 = math.log %log3A_770 : f32
      %div3A_772 = vector.broadcast %log3A_771 : f32 to vector<1x512xf32>
      %div3A_773 = arith.divf %log3A_769, %div3A_772 : vector<1x512xf32>
      %mul3A_774 = arith.mulf %mul3A_765, %div3A_773 : vector<1x512xf32>
      %reduce_sum3A_775 = vector.shape_cast %mul3A_774 : vector<1x512xf32> to vector<1x1x512xf32>
      %reduce_sum3A_776 = arith.constant dense<0.000000e+00> : vector<1xf32>
      %reduce_sum3A_777 = vector.multi_reduction <add>, %reduce_sum3A_775, %reduce_sum3A_776 [1, 2] : vector<1x1x512xf32> to vector<1xf32>
      %reduce_sum3A_778 = vector.shape_cast %reduce_sum3A_777 : vector<1xf32> to vector<1x1x1xf32>
      %reduce_sum3A_779 = vector.extract %reduce_sum3A_778[0, 0, 0] : f32 from vector<1x1x1xf32>
      %neg3A_780 = arith.constant 0.000000e+00 : f32
      %neg3A_781 = arith.subf %neg3A_780, %reduce_sum3A_779 : f32
      %get3A_782 = arith.constant 0 : index
      %get3A_783 = arith.constant 0 : index
      %get3A_784 = vector.load %arg7[%get3A_782, %get3A_783] : memref<2x512xf32, #tpu.memory_space<vmem>>, vector<1x512xf32>
      %mul3A_785 = arith.constant 4.8828125E-4 : f32
      %mul3A_786 = vector.broadcast %mul3A_785 : f32 to vector<1x512xf32>
      %mul3A_787 = arith.mulf %get3A_784, %mul3A_786 : vector<1x512xf32>
      %add3A_788 = arith.constant 1.000000e-10 : f32
      %add3A_789 = vector.broadcast %add3A_788 : f32 to vector<1x512xf32>
      %add3A_790 = arith.addf %mul3A_787, %add3A_789 : vector<1x512xf32>
      %log3A_791 = math.log %add3A_790 : vector<1x512xf32>
      %log3A_792 = arith.constant 2.000000e+00 : f32
      %log3A_793 = math.log %log3A_792 : f32
      %div3A_794 = vector.broadcast %log3A_793 : f32 to vector<1x512xf32>
      %div3A_795 = arith.divf %log3A_791, %div3A_794 : vector<1x512xf32>
      %mul3A_796 = arith.mulf %mul3A_787, %div3A_795 : vector<1x512xf32>
      %reduce_sum3A_797 = vector.shape_cast %mul3A_796 : vector<1x512xf32> to vector<1x1x512xf32>
      %reduce_sum3A_798 = arith.constant dense<0.000000e+00> : vector<1xf32>
      %reduce_sum3A_799 = vector.multi_reduction <add>, %reduce_sum3A_797, %reduce_sum3A_798 [1, 2] : vector<1x1x512xf32> to vector<1xf32>
      %reduce_sum3A_800 = vector.shape_cast %reduce_sum3A_799 : vector<1xf32> to vector<1x1x1xf32>
      %reduce_sum3A_801 = vector.extract %reduce_sum3A_800[0, 0, 0] : f32 from vector<1x1x1xf32>
      %neg3A_802 = arith.constant 0.000000e+00 : f32
      %neg3A_803 = arith.subf %neg3A_802, %reduce_sum3A_801 : f32
      %broadcast_in_dim3A_804 = vector.broadcast %neg3A_781 : f32 to vector<1x128xf32>
      %swap3A_805 = arith.constant 0 : index
      %swap3A_806 = arith.constant 0 : index
      %swap3A_807 = vector.load %arg5[%swap3A_805, %swap3A_806] : memref<8x128xf32, #tpu.memory_space<vmem>>, vector<1x128xf32>
      tpu.vector_store %arg5[%swap3A_805, %swap3A_806], %broadcast_in_dim3A_804 {strides = array<i32>} : memref<8x128xf32, #tpu.memory_space<vmem>>, vector<1x128xf32>,
      %broadcast_in_dim3A_808 = vector.broadcast %neg3A_803 : f32 to vector<1x128xf32>
      %swap3A_809 = arith.constant 2 : index
      %swap3A_810 = arith.constant 0 : index
      %swap3A_811 = vector.load %arg5[%swap3A_809, %swap3A_810] : memref<8x128xf32, #tpu.memory_space<vmem>>, vector<1x128xf32>
      tpu.vector_store %arg5[%swap3A_809, %swap3A_810], %broadcast_in_dim3A_808 {strides = array<i32>} : memref<8x128xf32, #tpu.memory_space<vmem>>, vector<1x128xf32>,
      %get3A_812 = arith.constant 1 : index
      %get3A_813 = arith.constant 0 : index
      %get3A_814 = vector.load %arg6[%get3A_812, %get3A_813] : memref<2x512xf32, #tpu.memory_space<vmem>>, vector<1x512xf32>
      %mul3A_815 = arith.constant 4.8828125E-4 : f32
      %mul3A_816 = vector.broadcast %mul3A_815 : f32 to vector<1x512xf32>
      %mul3A_817 = arith.mulf %get3A_814, %mul3A_816 : vector<1x512xf32>
      %add3A_818 = arith.constant 1.000000e-10 : f32
      %add3A_819 = vector.broadcast %add3A_818 : f32 to vector<1x512xf32>
      %add3A_820 = arith.addf %mul3A_817, %add3A_819 : vector<1x512xf32>
      %log3A_821 = math.log %add3A_820 : vector<1x512xf32>
      %log3A_822 = arith.constant 2.000000e+00 : f32
      %log3A_823 = math.log %log3A_822 : f32
      %div3A_824 = vector.broadcast %log3A_823 : f32 to vector<1x512xf32>
      %div3A_825 = arith.divf %log3A_821, %div3A_824 : vector<1x512xf32>
      %mul3A_826 = arith.mulf %mul3A_817, %div3A_825 : vector<1x512xf32>
      %reduce_sum3A_827 = vector.shape_cast %mul3A_826 : vector<1x512xf32> to vector<1x1x512xf32>
      %reduce_sum3A_828 = arith.constant dense<0.000000e+00> : vector<1xf32>
      %reduce_sum3A_829 = vector.multi_reduction <add>, %reduce_sum3A_827, %reduce_sum3A_828 [1, 2] : vector<1x1x512xf32> to vector<1xf32>
      %reduce_sum3A_830 = vector.shape_cast %reduce_sum3A_829 : vector<1xf32> to vector<1x1x1xf32>
      %reduce_sum3A_831 = vector.extract %reduce_sum3A_830[0, 0, 0] : f32 from vector<1x1x1xf32>
      %neg3A_832 = arith.constant 0.000000e+00 : f32
      %neg3A_833 = arith.subf %neg3A_832, %reduce_sum3A_831 : f32
      %get3A_834 = arith.constant 1 : index
      %get3A_835 = arith.constant 0 : index
      %get3A_836 = vector.load %arg7[%get3A_834, %get3A_835] : memref<2x512xf32, #tpu.memory_space<vmem>>, vector<1x512xf32>
      %mul3A_837 = arith.constant 4.8828125E-4 : f32
      %mul3A_838 = vector.broadcast %mul3A_837 : f32 to vector<1x512xf32>
      %mul3A_839 = arith.mulf %get3A_836, %mul3A_838 : vector<1x512xf32>
      %add3A_840 = arith.constant 1.000000e-10 : f32
      %add3A_841 = vector.broadcast %add3A_840 : f32 to vector<1x512xf32>
      %add3A_842 = arith.addf %mul3A_839, %add3A_841 : vector<1x512xf32>
      %log3A_843 = math.log %add3A_842 : vector<1x512xf32>
      %log3A_844 = arith.constant 2.000000e+00 : f32
      %log3A_845 = math.log %log3A_844 : f32
      %div3A_846 = vector.broadcast %log3A_845 : f32 to vector<1x512xf32>
      %div3A_847 = arith.divf %log3A_843, %div3A_846 : vector<1x512xf32>
      %mul3A_848 = arith.mulf %mul3A_839, %div3A_847 : vector<1x512xf32>
      %reduce_sum3A_849 = vector.shape_cast %mul3A_848 : vector<1x512xf32> to vector<1x1x512xf32>
      %reduce_sum3A_850 = arith.constant dense<0.000000e+00> : vector<1xf32>
      %reduce_sum3A_851 = vector.multi_reduction <add>, %reduce_sum3A_849, %reduce_sum3A_850 [1, 2] : vector<1x1x512xf32> to vector<1xf32>
      %reduce_sum3A_852 = vector.shape_cast %reduce_sum3A_851 : vector<1xf32> to vector<1x1x1xf32>
      %reduce_sum3A_853 = vector.extract %reduce_sum3A_852[0, 0, 0] : f32 from vector<1x1x1xf32>
      %neg3A_854 = arith.constant 0.000000e+00 : f32
      %neg3A_855 = arith.subf %neg3A_854, %reduce_sum3A_853 : f32
      %broadcast_in_dim3A_856 = vector.broadcast %neg3A_833 : f32 to vector<1x128xf32>
      %swap3A_857 = arith.constant 1 : index
      %swap3A_858 = arith.constant 0 : index
      %swap3A_859 = vector.load %arg5[%swap3A_857, %swap3A_858] : memref<8x128xf32, #tpu.memory_space<vmem>>, vector<1x128xf32>
      tpu.vector_store %arg5[%swap3A_857, %swap3A_858], %broadcast_in_dim3A_856 {strides = array<i32>} : memref<8x128xf32, #tpu.memory_space<vmem>>, vector<1x128xf32>,
      %broadcast_in_dim3A_860 = vector.broadcast %neg3A_855 : f32 to vector<1x128xf32>
      %swap3A_861 = arith.constant 3 : index
      %swap3A_862 = arith.constant 0 : index
      %swap3A_863 = vector.load %arg5[%swap3A_861, %swap3A_862] : memref<8x128xf32, #tpu.memory_space<vmem>>, vector<1x128xf32>
      tpu.vector_store %arg5[%swap3A_861, %swap3A_862], %broadcast_in_dim3A_860 {strides = array<i32>} : memref<8x128xf32, #tpu.memory_space<vmem>>, vector<1x128xf32>,
      %get3A_864 = arith.constant 0 : index
      %get3A_865 = arith.constant 0 : index
      %get3A_866 = memref.load %arg8[%get3A_864, %get3A_865] : memref<1x1xf32, #tpu.memory_space<smem>>
      %mul3A_867 = arith.constant 7.62939453E-6 : f32
      %mul3A_868 = arith.mulf %get3A_866, %mul3A_867 : f32
      %broadcast_in_dim3A_869 = vector.broadcast %mul3A_868 : f32 to vector<1x128xf32>
      %swap3A_870 = arith.constant 4 : index
      %swap3A_871 = arith.constant 0 : index
      %swap3A_872 = vector.load %arg5[%swap3A_870, %swap3A_871] : memref<8x128xf32, #tpu.memory_space<vmem>>, vector<1x128xf32>
      tpu.vector_store %arg5[%swap3A_870, %swap3A_871], %broadcast_in_dim3A_869 {strides = array<i32>} : memref<8x128xf32, #tpu.memory_space<vmem>>, vector<1x128xf32>,
      %broadcast_in_dim3A_873 = arith.constant 0.000000e+00 : f32
      %broadcast_in_dim3A_874 = vector.broadcast %broadcast_in_dim3A_873 : f32 to vector<3x128xf32>
      %swap3A_875 = arith.constant 5 : index
      %swap3A_876 = arith.constant 0 : index
      %swap3A_877 = vector.load %arg5[%swap3A_875, %swap3A_876] : memref<8x128xf32, #tpu.memory_space<vmem>>, vector<3x128xf32>
      tpu.vector_store %arg5[%swap3A_875, %swap3A_876], %broadcast_in_dim3A_874 {strides = array<i32>} : memref<8x128xf32, #tpu.memory_space<vmem>>, vector<3x128xf32>,
    } else {
    }
    return
  }
  func.func @transform_0(%arg0: i32) -> (i32, i32) {
    %c0_i32 = arith.constant 0 : i32
    %c0_i32_0 = arith.constant 0 : i32
    return %arg0, %c0_i32 : i32, i32
  }
  func.func @transform_1(%arg0: i32) -> (i32, i32, i32) {
    %c0_i32 = arith.constant 0 : i32
    %c0_i32_0 = arith.constant 0 : i32
    %c0_i32_1 = arith.constant 0 : i32
    %c0_i32_2 = arith.constant 0 : i32
    return %c0_i32, %c0_i32_0, %c0_i32_1 : i32, i32, i32
  }
  func.func @transform_2(%arg0: i32) -> (i32, i32) {
    %c0_i32 = arith.constant 0 : i32
    %c0_i32_0 = arith.constant 0 : i32
    return %arg0, %c0_i32 : i32, i32
  }
  func.func @transform_3(%arg0: i32) -> (i32, i32) {
    %c0_i32 = arith.constant 0 : i32
    %c0_i32_0 = arith.constant 0 : i32
    return %arg0, %c0_i32 : i32, i32
  }
  func.func @transform_4(%arg0: i32) -> (i32, i32) {
    %c0_i32 = arith.constant 0 : i32
    %c0_i32_0 = arith.constant 0 : i32
    %c0_i32_1 = arith.constant 0 : i32
    return %c0_i32, %c0_i32_0 : i32, i32
  }
}

</mosaic_0001>

<sc_bundles>
// kernel: kernel.4.cloned.1.call-start
scs
__scs_entry_jumppad:
0x0: {  	(pc) =	sbr.rel $0x88, $3  }
0x1: {  	(tag) =	ssettag $0x0;
	lr =	simm.s32 $0x1  }
0x2: {  	[smem:$0x3F9F] =	sst lr;
	_ =	strace $0xD0000000  }
0x3: {  	_ = 	snop  }
0x4: {  	_ = 	snop  }
0x5: {  	_ = 	snop  }
0x6: {  	_ = 	snop  }
0x7: {  	_ = 	snop  }
__scs_overlays_trampoline_lowered:
0x8: {  	[smem:$0x3FAE] =	sst s0  }
0x9: {  	[smem:$0x3FAF] =	sst s1  }
0xa: {  	[smem:$0x3FB0] =	sst s2  }
0xb: {  	[smem:$0x3FB1] =	sst s3  }
0xc: {  	[smem:$0x3FB2] =	sst s4  }
0xd: {  	[smem:$0x3FB3] =	sst s5  }
0xe: {  	[smem:$0x3FB4] =	sst s6  }
0xf: {  	[smem:$0x3FB5] =	sst s7  }
0x10: {  	[smem:$0x3FB6] =	sst s8  }
0x11: {  	[smem:$0x3FB7] =	sst s9;
	s0 =	simm.s32 @!p0 $0x0  }
0x12: {  	s1 =	sld [smem:$0x3F9D];
	s0 =	simm.s32 @p0 $0x1  }
0x13: {  	[smem:$0x3FB8] =	sst s0;
	s0 =	simm.s32 @!p1 $0x0  }
0x14: {  	s2 =	sld [smem:$0x3F9C];
	s0 =	simm.s32 @p1 $0x1  }
0x15: {  	[smem:$0x3FB9] =	sst s0;
	s0 =	simm.s32 @!p2 $0x0  }
0x16: {  	s3 =	sld [smem:$0x3FDB];
	s0 =	simm.s32 @p2 $0x1  }
0x17: {  	s4 =	simm.s32 $0x1BF5;
	[smem:$0x3FBB] =	sst s0  }
0x18: {  	s0 =	sld [smem:$0x3F9E];
	_ =	swait.ge [sflag:s4], $0x0  }
0x19: {  	s7 =	sld [smem:$0x3F9F]  }
0x1a: {  	s8 =	sadd.s32 $0xFFFFE003, lr  }
0x1b: {  	s9 =	sadd.s32 $0xFFFFFEF7, lr;
	s5 =	simm.s32 $0xFFFFFFFF;
	p2 =	slt.u32 s8, $0xFFFFF086  }
0x1c: {  	p1 =	slt.u32 s9, $0xF7A;
	s5 =	simm.s32 @!p2 $0x0  }
0x1d: {  	s5 =	simm.s32 @p1 $0x1;
	p0 =	seq.s32 s7, s2  }
0x1e: {  	s7 =	smul.u32 @!p0 $0xF7A, s2;
	p2 =	seq.s32 @!p0 s5, $0x0  }
0x1f: {  	s9 =	smul.u32 $0xF7A, s1;
	s8 =	simm.s32 @!p0 $0x1BF5;
	p2 =	por !p2, p0  }
0x20: {  	[sflag:s8] =	ssyncset.s32 @!p0 $0xFFFFF086;
	s6 =	sadd.s32 @!p0 s3, s7;
	s7 =	simm.s32 @!p0 $0x108  }
0x21: {  	s3 =	sadd.s32 s3, s9;
	s6 =	sadd.s32 @!p0 $0x88, s6;
	s7 =	simm.s32 @p2 $0x1082  }
0x22: {  	[simem:s7], [sflag:s8] =	dma.local @!p0 [hbm:s6], $0xF7A  }
0x23: {  	s9 =	sor.u32 $0xD0000000, s2;
	s6 =	simm.s32 $0x108;
	_ =	swait.ge @!p0 [sflag:s8], $0x0  }
0x24: {  	s3 =	sadd.s32 $0x88, s3;
	s6 =	simm.s32 @!p1 $0x1082;
	[sflag:s4] =	ssyncset.s32 $0xFFFFF086  }
0x25: {  	[simem:s6], [sflag:s4] =	dma.local [hbm:s3], $0xF7A  }
0x26: {  	[smem:$0x3F9F] =	sst s1;
	(tag) =	ssettag s2;
	_ =	strace s9  }
0x27: {  	s1 =	sld [smem:$0x3FAF]  }
0x28: {  	s2 =	sld [smem:$0x3FB0]  }
0x29: {  	s4 =	sld [smem:$0x3FB2]  }
0x2a: {  	p0 =	seq.s32 s5, $0x0;
	s5 =	sld [smem:$0x3FB3]  }
0x2b: {  	s6 =	sld [smem:$0x3FB4]  }
0x2c: {  	s7 =	sld [smem:$0x3FB5]  }
0x2d: {  	s3 =	simm.s32 $0x108;
	s8 =	sld [smem:$0x3FB6]  }
0x2e: {  	s3 =	simm.s32 @!p0 $0x1082;
	s9 =	sld [smem:$0x3FB7]  }
0x2f: {  	lr =	sadd.s32 s0, s3;
	s0 =	sld [smem:$0x3FAE]  }
0x30: {  	s3 =	sld [smem:$0x3FB1]  }
0x31: {  	[smem:$0x3FBA] =	sst s10  }
0x32: {  	s10 =	sld [smem:$0x3FB8];
	_ =	sdelay $0x3  }
0x33: {  	p0 =	seq.s32 s10, $0x1;
	s10 =	sld [smem:$0x3FBA];
	_ =	sdelay $0x3  }
0x34: {  	[smem:$0x3FBA] =	sst s10  }
0x35: {  	s10 =	sld [smem:$0x3FB9];
	_ =	sdelay $0x3  }
0x36: {  	p1 =	seq.s32 s10, $0x1;
	s10 =	sld [smem:$0x3FBA];
	_ =	sdelay $0x3  }
0x37: {  	[smem:$0x3FBA] =	sst s10  }
0x38: {  	s10 =	sld [smem:$0x3FBB]  }
0x39: {  	_ = 	snop;
	(pc) =	sbr.ind lr, $3  }
0x3a: {  	_ = 	snop  }
0x3b: {  	_ = 	snop  }
0x3c: {  	p2 =	seq.s32 s10, $0x1;
	s10 =	sld [smem:$0x3FBA]  }
0x3d: {  	_ =	shalt  }
0x3e: {  	_ =	shalt  }
0x3f: {  	_ =	shalt  }
0x40: {  	_ =	shalt  }
0x41: {  	_ =	shalt  }
0x42: {  	_ =	shalt  }
0x43: {  	_ =	shalt  }
0x44: {  	_ =	shalt  }
0x45: {  	_ =	shalt  }
0x46: {  	_ =	shalt  }
0x47: {  	_ =	shalt  }
0x48: {  	_ =	shalt  }
0x49: {  	_ =	shalt  }
0x4a: {  	_ =	shalt  }
0x4b: {  	_ =	shalt  }
0x4c: {  	_ =	shalt  }
0x4d: {  	_ =	shalt  }
0x4e: {  	_ =	shalt  }
0x4f: {  	_ =	shalt  }
0x50: {  	_ =	shalt  }
0x51: {  	_ =	shalt  }
0x52: {  	_ =	shalt  }
0x53: {  	_ =	shalt  }
0x54: {  	_ =	shalt  }
0x55: {  	_ =	shalt  }
0x56: {  	_ =	shalt  }
0x57: {  	_ =	shalt  }
0x58: {  	_ =	shalt  }
0x59: {  	_ =	shalt  }
0x5a: {  	_ =	shalt  }
0x5b: {  	_ =	shalt  }
0x5c: {  	_ =	shalt  }
0x5d: {  	_ =	shalt  }
0x5e: {  	_ =	shalt  }
0x5f: {  	_ =	shalt  }
0x60: {  	_ =	shalt  }
0x61: {  	_ =	shalt  }
0x62: {  	_ =	shalt  }
0x63: {  	_ =	shalt  }
0x64: {  	_ =	shalt  }
0x65: {  	_ =	shalt  }
0x66: {  	_ =	shalt  }
0x67: {  	_ =	shalt  }
0x68: {  	_ =	shalt  }
0x69: {  	_ =	shalt  }
0x6a: {  	_ =	shalt  }
0x6b: {  	_ =	shalt  }
0x6c: {  	_ =	shalt  }
0x6d: {  	_ =	shalt  }
0x6e: {  	_ =	shalt  }
0x6f: {  	_ =	shalt  }
0x70: {  	_ =	shalt  }
0x71: {  	_ =	shalt  }
0x72: {  	_ =	shalt  }
0x73: {  	_ =	shalt  }
0x74: {  	_ =	shalt  }
0x75: {  	_ =	shalt  }
0x76: {  	_ =	shalt  }
0x77: {  	_ =	shalt  }
0x78: {  	_ =	shalt  }
0x79: {  	_ =	shalt  }
0x7a: {  	_ =	shalt  }
0x7b: {  	_ =	shalt  }
0x7c: {  	_ =	shalt  }
0x7d: {  	_ =	shalt  }
0x7e: {  	_ =	shalt  }
0x7f: {  	_ =	shalt  }
0x80: {  	_ =	shalt  }
0x81: {  	_ =	shalt  }
0x82: {  	_ =	shalt  }
0x83: {  	_ =	shalt  }
0x84: {  	_ =	shalt  }
0x85: {  	_ =	shalt  }
0x86: {  	_ =	shalt  }
0x87: {  	_ =	shalt  }
.Lfunc_end0:
.L_simem_size_0:
called_computation_lowered:
.L_overlay_start_0:
0x88: {  	s2 =	sld [smem:$0x3FD9]  }
0x89: {  	s3 =	sld [smem:$0x3FFE];
	_ =	sdelay $0x1  }
0x8a: {  	s1 =	srdreg.scid  }
0x8b: {  	s0 =	sand.u32 $0x1, s1  }
0x8c: {  	s14 =	sshll.u32 s0, $0xA;
	s2 =	sadd.s32 s3, s2  }
0x8d: {  	s2 =	sadd.s32 s2, s14  }
0x8e: {  	[smem:$0x3FC6] =	sst s2  }
0x8f: {  	_ = 	snop  }
0x90: {  	s2 =	sld [smem:$0x3FD0];
	_ =	sdelay $0x2  }
0x91: {  	s15 =	simm.s32 $0xA;
	s4 =	simm.s32 $0x10  }
0x92: {  	[smem:s4], [sflag:s15] =	dma.local [hbm:s2], $0x1  }
0x93: {  	_ =	swait.eq [sflag:s15], $0x1  }
0x94: {  	[sflag:s15] =	ssyncset.done $0x0  }
0x95: {  	[sflag:s15] =	ssyncadd.s32 $0xFFFFFFFF  }
0x96: {  	s16 =	sld [smem:$0x10];
	(tm) =	ssettm $0x1  }
0x97: {  	s17 =	sld [smem:$0x3FFB];
	_ =	sdelay $0x3  }
0x98: {  	_ =	strace s17  }
0x99: {  	s3 =	sld [smem:$0x3FFC];
	_ =	sdelay $0x3  }
0x9a: {  	_ =	strace s3  }
0x9b: {  	s3 =	sld [smem:$0x3FFD];
	_ =	sdelay $0x3  }
0x9c: {  	_ =	strace s3  }
0x9d: {  	_ =	strace $0x8FFFFFFF  }
0x9e: {  	s18 =	sld [smem:$0x3FDB];
	_ =	sdelay $0x1  }
0x9f: {  	s19 =	simm.s32 $_scs_section_size  }
0xa0: {  	s5 =	simm.s32 $_size__tile_overlayer_lowered;
	s6 =	simm.s32 $_tile_overlayer_lowered  }
0xa1: {  	s22 =	simm.s32 $0x1BFF;
	s21 =	sshll.u32 s6, $0x1;
	s3 =	sadd.s32 s19, s18  }
0xa2: {  	s7 =	simm.s32 $0x0;
	s20 =	sshll.u32 s5, $0x1;
	s5 =	sadd.s32 s21, s3  }
0xa3: {  	[timem:s7], [sflag:s22] =	dma.local [hbm:s5], s20  }
0xa4: {  	_ =	swait.ge [sflag:s22], s20  }
0xa5: {  	s4 =	ssub.s32 $0x0, s20;
	[sflag:s22] =	ssyncset.done $0x0  }
0xa6: {  	[sflag:s22] =	ssyncadd.s32 s4;
	_ =	sdelay $0x1  }
0xa7: {  	s23 =	simm.s32 $0x1B8B  }
0xa8: {  	_ =	swait.ge [sflag:s23], $0x1  }
0xa9: {  	[sflag:s23] =	ssyncset.done $0x0  }
0xaa: {  	s25 =	simm.s32 $0x1B8E;
	s24 =	sld [smem:$0x3FFE];
	[sflag:s23] =	ssyncadd.s32 $0xFFFFFFFF  }
0xab: {  	s26 =	simm.s32 $execute0_lowered;
	[smem:$0x3FD2] =	sst s25  }
0xac: {  	s5 =	sshll.u32 s26, $0x1;
	_ =	strace $0x80000046;
	[dreg:$0x1] =	wrdreg $0xFFFFFFFF  }
0xad: {  	s28 =	simm.s32 $_size_execute0_lowered;
	s3 =	sadd.s32 s3, s5;
	[dreg:$0x0] =	wrdreg $0x0  }
0xae: {  	s5 =	sshll.u32 s28, $0x1;
	[dreg:$0x2] =	wrdreg s3  }
0xaf: {  	[dreg:$0x3] =	wrdreg s5  }
0xb0: {  	[dreg:$0x4] =	wrdreg $0xC0  }
0xb1: {  	_ =	task [dreg:s7], $0x5FFFF  }
0xb2: {  	[dreg:$0x1] =	wrdreg $0xFFFFFFFF  }
0xb3: {  	[dreg:$0x0] =	wrdreg $0x60  }
0xb4: {  	[dreg:$0x2] =	wrdreg s24  }
0xb5: {  	[dreg:$0x3] =	wrdreg s16  }
0xb6: {  	[dreg:$0x4] =	wrdreg $0x9  }
0xb7: {  	_ =	task.clear_ibuf [dreg:s7], $0x5FFFF;
	_ =	strace $0x90000046  }
0xb8: {  	s29 =	simm.s32 $0x9;
	_ =	strace $0x80000048  }
0xb9: {  	_ =	swait.ge [sflag:s29], $0x1  }
0xba: {  	[sflag:s29] =	ssyncadd.s32 $0xFFFFFFFF  }
0xbb: {  	_ =	strace $0x90000048  }
0xbc: {  	_ =	sfence  }
0xbd: {  	s30 =	sld [smem:$0x0];
	_ =	sdelay $0x2  }
0xbe: {  	s31 =	sshll.u32 s1, $0xD;
	s1 =	sshrl.u32 s1, $0x2  }
0xbf: {  	s3 =	sand.u32 $0x4000, s31;
	s1 =	sadd.s32 s1, s30  }
0xc0: {  	s0 =	sor.u32 s3, s0;
	s1 =	sshll.u32 s1, $0x11  }
0xc1: {  	s0 =	sor.u32 s1, s0  }
0xc2: {  	s0 =	sadd.s32 $0x8F2B, s0  }
0xc3: {  	[sflag:s0] =	ssyncadd.remote.s32 $0x1  }
0xc4: {  	_ =	sfence.sel $0xFFFF  }
0xc5: {  	[dreg:$0x0] =	wrdreg $0xFFFFFFFF;
	(pc) =	sbr.abs _section_cstart, $3  }
0xc6: {  	[dreg:$0x1] =	wrdreg $0xFFFFFFFF  }
0xc7: {  	_ =	task.clear_ibuf [dreg:s7], $0x2FFFF;
	_ =	strace $0x9FFFFFFF  }
0xc8: {  	(tm) =	ssettm $0x7FFFFFFF  }
0xc9: {  	_ =	shalt  }
tec
execute0_lowered:
.L_overlay_start_1:
0x0: {  	(tag) =	ssettag $0x1  }
0x1: {  	s1 =	srdreg.scid;
	s5 =	rddreg [dreg:$0x0]  }
0x2: {  	s0 =	stileid.u32;
	s8 =	rddreg [dreg:$0x1];
	s6 =	sand.u32 $0x1, s1  }
0x3: {  	s2 =	simm.s32 $0x0;
	s3 =	sshll.u32 s0, $0x8;
	s4 =	sshll.u32 s6, $0x7  }
0x4: {  	[smem:$0x7FF] =	sst s2;
	s9 =	sor.u32 s4, s3  }
0x5: {  	s1 =	rddreg [dreg:$0x2];
	_ =	strace $0x80000047;
	s3 =	sshrl.u32 s9, $0x3  }
0x6: {  	s10 =	ssub.s32 $0x2, s6;
	s4 =	sadd.s32 s5, s3;
	s3 =	simm.s32 $0x2  }
0x7: {  	[tilespmem:s2], [sflag:$0x2] =	stream.linear.gather [hbm4b:s4+s2], $0x80, $0x38;
	[tilespmem:$0x1080] =	vst v63  }
0x8: {  	s7 =	simm.s32 $0x1;
	s11 =	sshrl.u32 s10, $0x1;
	_ =	swait.ge [sflag:s3], $0x80  }
0x9: {  	s6 =	simm.s32 $0x80;
	s10 =	ssub.s32 s10, s11;
	[sflag:s3] =	ssyncset.done $0x0  }
0xa: {  	s5 =	sadd.s32 $0x200, s5;
	s31 =	smax.u32 s10, $0x1;
	[sflag:s3] =	ssyncadd.s32 $0xFFFFFF80  }
0xb: {  	[tilespmem:s6], [sflag:$0x1] =	stream.indirect.gather [hbm4b:s5+s6], $0x20, s2, s6, $0xb8;
	[tilespmem:$0x1080] =	vst v63  }
0xc: {  	p0 =	sne.s32 s31, $0x1;
	_ =	swait.ge [sflag:s7], $0x1000  }
.Ltmp0:
0xd: {  	s9 =	sshll.u32 s9, $0x2;
	[sflag:s7] =	ssyncset.done $0x0;
	(pc) =	sbr.rel @!p0 .LBB2_2-.Ltmp0, $4  }
0xe: {  	s8 =	sadd.s32 s8, s9;
	[sflag:s7] =	ssyncadd.s32 $0xFFFFF000  }
0xf: {  	[hbm4b:s8+s2] =	stream.linear.scatter [tilespmem:s6], [sflag:$0x2], $0x1000, $0x38;
	[tilespmem:$0x1080] =	vst v63  }
0x10: {  	_ =	swait.ge [sflag:s3], $0x1000  }
0x11: {  	s9 =	sadd.s32 $0xFFFFFFFF, s31;
	[sflag:s3] =	ssyncset.done $0x0  }
.LBB2_1:
0x12: {  	p0 =	sne.s32 s9, $0x1;
	s9 =	sadd.s32 $0xFFFFFFFF, s9;
	[sflag:s3] =	ssyncadd.s32 $0xFFFFF000  }
0x13: {  	[tilespmem:s2], [sflag:$0x2] =	stream.linear.gather [hbm4b:s4+s2], $0x80, $0x38;
	[tilespmem:$0x1080] =	vst v63  }
0x14: {  	_ =	swait.ge [sflag:s3], $0x80  }
0x15: {  	[sflag:s3] =	ssyncset.done $0x0  }
0x16: {  	[sflag:s3] =	ssyncadd.s32 $0xFFFFFF80  }
0x17: {  	[tilespmem:s6], [sflag:$0x1] =	stream.indirect.gather [hbm4b:s5+s6], $0x20, s2, s6, $0xb8;
	[tilespmem:$0x1080] =	vst v63  }
0x18: {  	_ =	swait.ge [sflag:s7], $0x1000  }
.Ltmp1:
0x19: {  	[sflag:s7] =	ssyncset.done $0x0;
	(pc) =	sbr.rel @p0 .LBB2_1-.Ltmp1, $4  }
0x1a: {  	[sflag:s7] =	ssyncadd.s32 $0xFFFFF000  }
0x1b: {  	[hbm4b:s8+s2] =	stream.linear.scatter [tilespmem:s6], [sflag:$0x2], $0x1000, $0x38;
	[tilespmem:$0x1080] =	vst v63  }
0x1c: {  	_ =	swait.ge [sflag:s3], $0x1000  }
0x1d: {  	[sflag:s3] =	ssyncset.done $0x0  }
.LBB2_2:
0x1e: {  	[sflag:s3] =	ssyncadd.s32 $0xFFFFF000  }
0x1f: {  	_ =	sfence.sel $0x180000  }
0x20: {  	[bflag:$0x0] =	sbarrier.arrive $0xFFFF  }
0x21: {  	p0 =	sne.s32 s0, $0x0;
	_ =	strace $0x90000047  }
0x22: {  	s0 =	sadd.s32 @!p0 $0x100000, s1;
	[bflag:$0x2] =	sbarrier.arrive $0xFFFF  }
0x23: {  	[sflag:s0] =	ssyncadd.tile.s32 @!p0 $0x1;
	_ =	shalt  }
.Lfunc_end2:
_tile_overlayer_lowered:
.L_overlay_start_2:
0x24: {  	(tag) =	ssettag $0x2  }
0x25: {  	s0 =	rddreg [dreg:$0x0];
	s2 =	stileid.u32  }
0x26: {  	s1 =	rddreg [dreg:$0x1];
	p0 =	sne.s32 s2, $0x0  }
0x27: {  	s3 =	rddreg [dreg:$0x2];
	[bflag:$0x3] =	sbarrier.arrive $0xFFFF;
	s2 =	simm.s32 @!p0 $0x1C02  }
0x28: {  	[timem:s3], [sflag:s2] =	dma.local @!p0 [hbm:s0], s1  }
0x29: {  	s0 =	simm.s32 @!p0 $0x2  }
0x2a: {  	_ =	swait.ge @!p0 [sflag:s0], s1  }
0x2b: {  	s1 =	ssub.s32 @!p0 $0x0, s1;
	[sflag:s0] =	ssyncset.done @!p0 $0x0  }
0x2c: {  	[sflag:s0] =	ssyncadd.s32 @!p0 s1  }
0x2d: {  	[bflag:$0x3] =	sbarrier.arrive $0xFFFF  }
0x2e: {  	_ =	shalt  }

</sc_bundles>
